<compile_context>
chip_gen: v7x
topology: tpu7x:2x2x1
jax: 0.10.2.dev20260603
libtpu: 0.0.44.dev20260713+nightly
codegen_flags: <defaults>
</compile_context>

<pallas_src>
import functools

import jax
import jax.numpy as jnp
from jax import lax
from jax.experimental import pallas as pl
from jax.experimental.pallas import tpu as pltpu
from jax.experimental.pallas import tpu_sc as plsc

_B, _T, _L, _D, _H = 4, 2048, 15, 256, 128
_TL = _T * _L
_K = 410
_KP = 416
_PRUNE_RATIO = 0.2
_TT = 256
_RB = _TT * _L
_NT = _T // _TT
_CH = 1920
_NCH = _TL // _CH
_M15 = 69906
_SH15 = 20


def _score_body(x_ref, sl_ref, gb_ref, gl_ref, w1_ref, b1_ref, w2_ref, b2_ref,
                w3_ref, b3_ref, ps_ref, loss_ref):
    b = pl.program_id(0)
    i = pl.program_id(1)
    x = x_ref[...].reshape(_RB, _D)
    h = jnp.maximum(jnp.dot(x, w1_ref[...]) + b1_ref[...], 0.0)
    h = jnp.maximum(jnp.dot(h, w2_ref[...]) + b2_ref[...], 0.0)
    sr = lax.dot_general(w3_ref[...], h, (((1,), (1,)), ((), ())))
    sr = sr + b3_ref[0, 0]

    r = lax.broadcasted_iota(jnp.int32, (1, _RB), 1)
    q = lax.shift_right_arithmetic(r * _M15, _SH15)
    t_row = i * _TT + q
    l_row = r - q * _L
    slen = sl_ref[0, 0]
    m = jnp.where(t_row + l_row < slen, 1.0, 0.0)
    ps = sr - (1.0 - m) * 10000.0
    ps_ref[pl.ds(lax.rem(b * _NT + i, 8), 1), :] = ps

    gb = gb_ref[...]
    gl = gl_ref[...]
    validg = (gl >= 0) & (gl < _L) & (gb >= 0) & (gb < _T)
    hit = (t_row == gb) & (l_row == gl) & validg
    tgt = jnp.any(hit, axis=0, keepdims=True).astype(jnp.float32)

    bce = jnp.maximum(ps, 0.0) - ps * tgt + jnp.log(1.0 + jnp.exp(-jnp.abs(ps)))
    part = jnp.sum(bce * m)

    @pl.when((b == 0) & (i == 0))
    def _():
        loss_ref[...] = jnp.zeros((1, 1), jnp.float32)

    loss_ref[...] += part


def _topk_body(ps_ref, sl_ref, oidx_ref, osc_ref, ob_ref, oe_ref,
               sq_ref, tri_ref):
    ps = ps_ref[...]
    bits = lax.bitcast_convert_type(ps, jnp.int32)
    key = jnp.where(bits >= 0, bits, bits ^ 0x7FFFFFFF)

    def cnt_ge(c):
        return jnp.sum(jnp.where(key >= c, 1, 0))

    def step(j, mcur):
        bit = 30 - j
        cand = mcur + lax.shift_left(jnp.int32(1), bit)
        return jnp.where(cnt_ge(cand) >= _K, cand, mcur)

    m0 = jnp.where(cnt_ge(jnp.int32(0)) >= _K,
                   jnp.int32(0), jnp.int32(-2147483648))
    mth = lax.fori_loop(0, 31, step, m0)
    need = _K - jnp.sum(jnp.where(key > mth, 1, 0))

    eqm = key == mth
    pos = (lax.broadcasted_iota(jnp.int32, (_NT, _RB), 0) * _RB
           + lax.broadcasted_iota(jnp.int32, (_NT, _RB), 1))

    def step2(j, x):
        bit = 14 - j
        xc = x + lax.shift_left(jnp.int32(1), bit)
        cnt = jnp.sum(jnp.where(eqm & (pos < xc), 1, 0))
        return jnp.where(cnt < need, xc, x)

    istar = lax.fori_loop(0, 15, step2, jnp.int32(0))

    keep = (key > mth) | (eqm & (pos <= istar))
    k01 = jnp.where(keep, 1, 0)

    rcum = k01
    sh = 1
    while sh < _RB:
        shifted = jnp.concatenate(
            [jnp.zeros((_NT, sh), jnp.int32), rcum[:, :_RB - sh]], axis=1)
        rcum = rcum + shifted
        sh *= 2
    rtot = rcum[:, _RB - 1:_RB]
    roff = jnp.zeros((_NT, 1), jnp.int32)
    sh = 1
    acc = rtot
    while sh < _NT:
        shifted = jnp.concatenate(
            [jnp.zeros((sh, 1), jnp.int32), acc[:_NT - sh, :]], axis=0)
        acc = acc + shifted
        sh *= 2
    roff = jnp.concatenate(
        [jnp.zeros((1, 1), jnp.int32), acc[:_NT - 1, :]], axis=0)
    gcum = rcum + roff

    kk1 = lax.broadcasted_iota(jnp.int32, (_KP, 1), 0) + 1
    accI = jnp.zeros((_KP, 1), jnp.float32)
    accS = jnp.zeros((_KP, 1), jnp.float32)
    urank = gcum * k01
    for c in range(_NT):
        u_c = urank[c:c + 1, :]
        p_c = ps[c:c + 1, :]
        oh = jnp.where(u_c == kk1, 1.0, 0.0)
        e_c = (lax.broadcasted_iota(jnp.int32, (1, _RB), 1) + c * _RB
               ).astype(jnp.float32)
        accI = accI + jnp.sum(oh * e_c, axis=1, keepdims=True)
        accS = accS + jnp.sum(oh * p_c, axis=1, keepdims=True)

    idx_i = accI.astype(jnp.int32)
    qk = lax.shift_right_arithmetic(idx_i * _M15, _SH15)
    oidx_ref[...] = idx_i.reshape(1, _KP)
    osc_ref[...] = accS.reshape(1, _KP)
    ob_ref[...] = qk.reshape(1, _KP)
    oe_ref[...] = (idx_i - qk * (_L - 1)).reshape(1, _KP)

    sl = sl_ref[...].astype(jnp.float32)
    spl = jnp.minimum(jnp.ceil(_PRUNE_RATIO * sl).astype(jnp.int32), _K)
    ri = lax.broadcasted_iota(jnp.int32, (_K, _K), 0)
    rj = lax.broadcasted_iota(jnp.int32, (_K, _K), 1)
    vi = ri < spl
    vj = rj < spl
    sq = jnp.where(vi & vj, 1.0, 0.0)
    sq_ref[...] = sq
    tri_ref[...] = sq * jnp.where(rj <= ri, 1.0, 0.0)


_CHUNKS = ((0, 104), (104, 104), (208, 104), (312, 104))


def _sc_body(idx_hbm, svf_hbm, fv_hbm, idx_v, idxb_v, rows_v, sem):
    cc = lax.axis_index("c")
    ss = lax.axis_index("s")
    wid = ss * 2 + cc

    @pl.when(wid < _B)
    def _():
        b = wid
        pltpu.sync_copy(idx_hbm.at[b], idx_v)
        for j in range(_KP // 16):
            iv = idx_v[pl.ds(j * 16, 16)]
            idxb_v[pl.ds(j * 16, 16)] = iv + b * _TL

        for (s0, n) in _CHUNKS:
            pltpu.async_copy(svf_hbm.at[idxb_v.at[pl.ds(s0, n)]],
                             rows_v.at[pl.ds(0, n)], sem).wait()
            pltpu.sync_copy(rows_v.at[pl.ds(0, n)],
                            fv_hbm.at[pl.ds(b * _KP + s0, n)])


def _run_score(sv4, sl2, gbm, glm, W1, b1, W2, b2, W3, b3):
    return pl.pallas_call(
        _score_body,
        grid=(_B, _NT),
        in_specs=[
            pl.BlockSpec((None, _TT, _L, _D), lambda b, i: (b, i, 0, 0)),
            pl.BlockSpec((None, 1, 1), lambda b, i: (b, 0, 0)),
            pl.BlockSpec((None, gbm.shape[1], 1), lambda b, i: (b, 0, 0)),
            pl.BlockSpec((None, glm.shape[1], 1), lambda b, i: (b, 0, 0)),
            pl.BlockSpec((_D, _H), lambda b, i: (0, 0)),
            pl.BlockSpec((1, _H), lambda b, i: (0, 0)),
            pl.BlockSpec((_H, _H), lambda b, i: (0, 0)),
            pl.BlockSpec((1, _H), lambda b, i: (0, 0)),
            pl.BlockSpec((1, _H), lambda b, i: (0, 0)),
            pl.BlockSpec((1, 1), lambda b, i: (0, 0)),
        ],
        out_specs=[
            pl.BlockSpec((8, _RB), lambda b, i: ((b * _NT + i) // 8, 0)),
            pl.BlockSpec((1, 1), lambda b, i: (0, 0)),
        ],
        out_shape=[
            jax.ShapeDtypeStruct((_B * _NT, _RB), jnp.float32),
            jax.ShapeDtypeStruct((1, 1), jnp.float32),
        ],
    )(sv4, sl2, gbm, glm, W1, b1, W2, b2, W3, b3)


def _run_topk(ps3, sl3):
    return pl.pallas_call(
        _topk_body,
        grid=(_B,),
        in_specs=[
            pl.BlockSpec((None, _NT, _RB), lambda b: (b, 0, 0)),
            pl.BlockSpec((None, 1, 1), lambda b: (b, 0, 0)),
        ],
        out_specs=[
            pl.BlockSpec((None, 1, _KP), lambda b: (b, 0, 0)),
            pl.BlockSpec((None, 1, _KP), lambda b: (b, 0, 0)),
            pl.BlockSpec((None, 1, _KP), lambda b: (b, 0, 0)),
            pl.BlockSpec((None, 1, _KP), lambda b: (b, 0, 0)),
            pl.BlockSpec((None, _K, _K), lambda b: (b, 0, 0)),
            pl.BlockSpec((None, _K, _K), lambda b: (b, 0, 0)),
        ],
        out_shape=[
            jax.ShapeDtypeStruct((_B, 1, _KP), jnp.int32),
            jax.ShapeDtypeStruct((_B, 1, _KP), jnp.float32),
            jax.ShapeDtypeStruct((_B, 1, _KP), jnp.int32),
            jax.ShapeDtypeStruct((_B, 1, _KP), jnp.int32),
            jax.ShapeDtypeStruct((_B, _K, _K), jnp.float32),
            jax.ShapeDtypeStruct((_B, _K, _K), jnp.float32),
        ],
    )(ps3, sl3)


@functools.cache
def _make_prune():
    return pl.kernel(
        _sc_body,
        mesh=plsc.VectorSubcoreMesh(core_axis_name="c", subcore_axis_name="s"),
        out_type=[
            jax.ShapeDtypeStruct((_B * _KP, _D), jnp.float32),
        ],
        scratch_types=[
            pltpu.VMEM((_KP,), jnp.int32),
            pltpu.VMEM((_KP,), jnp.int32),
            pltpu.VMEM((104, _D), jnp.float32),
            pltpu.SemaphoreType.DMA,
        ],
    )


def _run_prune(idx2, svf):
    return _make_prune()(idx2, svf)


def kernel(span_vecs, span_mask, W1, b1, W2, b2, W3, b3,
           span_begin, span_end, sequence_lengths, gold_spans):
    B, T, L, D = span_vecs.shape
    H = W1.shape[1]
    G = gold_spans.shape[1]
    sv2 = span_vecs.reshape(B, T * L, D)
    sl2 = sequence_lengths.reshape(B, 1, 1)
    gbm = gold_spans[..., 0].reshape(B, G, 1)
    glm = (gold_spans[..., 1] - gold_spans[..., 0]).reshape(B, G, 1)

    ps, loss = _run_score(span_vecs, sl2, gbm, glm, W1, b1.reshape(1, H),
                          W2, b2.reshape(1, H), W3.reshape(1, H),
                          b3.reshape(1, 1))
    oidx, osc, ob, oe, sq, tri = _run_topk(
        ps.reshape(B, _NT, _RB), sl2)
    idx2 = oidx.reshape(B, _KP)
    fv, = _run_prune(idx2, sv2.reshape(B * T * L, D))

    obj = loss[0, 0]
    prune_scores = ps.reshape(B, T, L, 1)
    f_vecs = fv.reshape(B, _KP, D)[:, :_K]
    f_scores = osc.reshape(B, _KP)[:, :_K, None]
    f_begin = ob.reshape(B, _KP)[:, :_K]
    f_end = oe.reshape(B, _KP)[:, :_K]
    idx = idx2[:, :_K]
    return (obj, prune_scores, f_vecs, f_scores, f_begin, f_end, sq, tri, idx)

# --- scband reference (transcript-rebuilt; emitter-appended) ---
"""Pipeline reference for scband-mention-pruner-16131897163798 (READ-ONLY COPY).

The authoritative reference and input builder live on the scoring server;
editing this copy changes nothing except your own understanding.
"""

import jax, jax.numpy as jnp
import numpy as np

B, T, L, D = 4, 2048, 15, 256
H = 128
PRUNE_RATIO = 0.2
K = int(np.ceil(PRUNE_RATIO * T))  # 410
WEIGHT = 1.0
G = 32


def setup_inputs(seed: int = 0) -> dict:
    key = jax.random.key(seed)
    ks = jax.random.split(key, 10)
    span_vecs = jax.random.normal(ks[0], (B, T, L, D), dtype=jnp.float32)
    span_begin = jnp.broadcast_to(jnp.arange(T, dtype=jnp.int32)[None, :, None], (B, T, L))
    span_end = span_begin + jnp.broadcast_to(jnp.arange(L, dtype=jnp.int32)[None, None, :], (B, T, L))
    sequence_lengths = jnp.full((B,), T, dtype=jnp.int32)
    span_mask = (span_end < sequence_lengths[:, None, None]).astype(jnp.float32)
    g_begin = jax.random.randint(ks[1], (B, G), 0, T)
    g_len = jax.random.randint(ks[2], (B, G), 0, L)
    gold_spans = jnp.stack([g_begin, g_begin + g_len], axis=-1).astype(jnp.int32)
    W1 = jax.random.normal(ks[3], (D, H), dtype=jnp.float32) * 0.02
    b1 = jnp.zeros((H,), dtype=jnp.float32)
    W2 = jax.random.normal(ks[4], (H, H), dtype=jnp.float32) * 0.02
    b2 = jnp.zeros((H,), dtype=jnp.float32)
    W3 = jax.random.normal(ks[5], (H, 1), dtype=jnp.float32) * 0.02
    b3 = jnp.zeros((1,), dtype=jnp.float32)
    return {"span_vecs": span_vecs, "span_mask": span_mask, "W1": W1, "b1": b1,
            "W2": W2, "b2": b2, "W3": W3, "b3": b3,
            "span_begin": span_begin, "span_end": span_end,
            "sequence_lengths": sequence_lengths, "gold_spans": gold_spans}


def _bce_with_logits(x, t):
    return jnp.maximum(x, 0.0) - x * t + jnp.log1p(jnp.exp(-jnp.abs(x)))


def reference(span_vecs, span_mask, W1, b1, W2, b2, W3, b3,
              span_begin, span_end, sequence_lengths, gold_spans):
    # scorer MLP (dropout disabled / eval mode)
    h = jnp.maximum(span_vecs @ W1 + b1, 0.0)
    h = jnp.maximum(h @ W2 + b2, 0.0)
    scores = h @ W3 + b3                                   # [B,T,L,1]
    prune_scores = scores - (1.0 - span_mask[..., None]) * 10000.0

    # prune_spans: global top-k over flattened (begin,length) grid, sort after pruning
    flat = prune_scores.reshape(B, T * L)
    _, idx = jax.lax.top_k(flat, K)
    idx = jnp.sort(idx, axis=1)                            # sort_after_pruning=True

    def filt(x):
        xf = x.reshape(B, T * L, -1)
        return jnp.take_along_axis(xf, idx[:, :, None], axis=1)

    f_vecs = filt(span_vecs)                               # [B,K,D]
    f_scores = filt(prune_scores)                          # [B,K,1]
    f_begin = jnp.take_along_axis(span_begin.reshape(B, T * L), idx, axis=1)
    f_end = jnp.take_along_axis(span_end.reshape(B, T * L), idx, axis=1)

    # create_masks
    span_lengths = jnp.minimum(jnp.ceil(PRUNE_RATIO * sequence_lengths.astype(jnp.float32)).astype(jnp.int32), K)
    r = jnp.arange(K)
    valid = r[None, :] < span_lengths[:, None]             # [B,K]
    square_mask = (valid[:, :, None] & valid[:, None, :]).astype(jnp.float32)
    tri = (r[None, None, :] <= r[None, :, None]).astype(jnp.float32)
    triangular_mask = square_mask * tri

    # create_spans_targets + BCE pruner loss
    gb = gold_spans[..., 0]
    gl = gold_spans[..., 1] - gold_spans[..., 0]
    valid_g = (gl >= 0) & (gl < L) & (gb >= 0) & (gb < T)
    bidx = jnp.broadcast_to(jnp.arange(B)[:, None], gb.shape)
    targets = jnp.zeros((B, T, L, 1), dtype=jnp.float32)
    targets = targets.at[bidx, jnp.clip(gb, 0, T - 1), jnp.clip(gl, 0, L - 1), 0].max(valid_g.astype(jnp.float32))

    lmask = (span_end < sequence_lengths[:, None, None]).astype(jnp.float32)[..., None]
    obj_pruner = (_bce_with_logits(prune_scores, targets) * lmask).sum() * WEIGHT

    return (obj_pruner, prune_scores, f_vecs, f_scores, f_begin, f_end,
            square_mask, triangular_mask, idx)

if __name__ == "__main__":
    import jax
    _d = setup_inputs()
    print(jax.jit(kernel)(*tuple(_d.values())))

</pallas_src>

<mosaic_0001>
#map = affine_map<(d0, d1) -> (0, 0)>
module attributes {stable_mosaic.version = 14 : i64} {
  func.func @_sc_body(%arg0: i32, %arg1: i32, %arg2: memref<4x416xi32, #tpu.memory_space<hbm>>, %arg3: memref<122880x256xf32, #tpu.memory_space<hbm>>, %arg4: memref<1664x256xf32, #tpu.memory_space<hbm>>, %arg5: memref<416xi32, #tpu.memory_space<vmem>>, %arg6: memref<416xi32, #tpu.memory_space<vmem>>, %arg7: memref<104x256xf32, #tpu.memory_space<vmem>>, %arg8: memref<!tpu.dma_semaphore, #tpu.memory_space<semaphore_mem>>) attributes {dimension_semantics = [#tpu.dimension_semantics<core_parallel>, #tpu.dimension_semantics<subcore_parallel>], iteration_bounds = array<i64: 2, 16>, scalar_prefetch = 0 : i64, scratch_operands = 4 : i64, tpu.core_type = #tpu.core_type<sc_vector_subcore>, window_params = [{transform_indices = #map}, {transform_indices = #map}, {transform_indices = #map}]} {
    %mul3A = arith.constant 2 : i32
    %mul3A_0 = arith.muli %arg1, %mul3A : i32
    %add3A = arith.addi %mul3A_0, %arg0 : i32
    %lt3A = arith.constant 4 : i32
    %lt3A_1 = arith.cmpi slt, %add3A, %lt3A : i32
    %convert_element_type3A = arith.extui %lt3A_1 : i1 to i32
    %cond3A = arith.constant 0 : i32
    %cond3A_2 = arith.cmpi ne, %convert_element_type3A, %cond3A : i32
    scf.if %cond3A_2 {
      "tpu.region"() ({
        %run_scoped3A = tpu.sem_alloc : memref<!tpu.dma_semaphore, #tpu.memory_space<semaphore_mem>>
        %dma_start3A_365 = arith.constant 0 : i32
        %dma_start3A_366 = tpu.memref_slice %arg2[%add3A, %dma_start3A_365] : memref<4x416xi32, #tpu.memory_space<hbm>> -> memref<1x416xi32, #tpu.memory_space<hbm>>
        %dma_start3A_367 = tpu.memref_squeeze %dma_start3A_366 : memref<1x416xi32, #tpu.memory_space<hbm>> -> memref<416xi32, #tpu.memory_space<hbm>>
        %dma_start3A_368 = arith.constant 0 : i32
        %dma_start3A_369 = tpu.memref_slice %arg2[%add3A, %dma_start3A_368] : memref<4x416xi32, #tpu.memory_space<hbm>> -> memref<1x416xi32, #tpu.memory_space<hbm>>
        %dma_start3A_370 = tpu.memref_squeeze %dma_start3A_369 : memref<1x416xi32, #tpu.memory_space<hbm>> -> memref<416xi32, #tpu.memory_space<hbm>>
        tpu.enqueue_dma source(%dma_start3A_370 : memref<416xi32, #tpu.memory_space<hbm>>) target(%arg5 : memref<416xi32, #tpu.memory_space<vmem>>) target_semaphore(%run_scoped3A : memref<!tpu.dma_semaphore, #tpu.memory_space<semaphore_mem>>)
        %dma_wait3A_371 = arith.constant 0 : i32
        %dma_wait3A_372 = tpu.memref_slice %arg2[%add3A, %dma_wait3A_371] : memref<4x416xi32, #tpu.memory_space<hbm>> -> memref<1x416xi32, #tpu.memory_space<hbm>>
        %dma_wait3A_373 = tpu.memref_squeeze %dma_wait3A_372 : memref<1x416xi32, #tpu.memory_space<hbm>> -> memref<416xi32, #tpu.memory_space<hbm>>
        %dma_wait3A_374 = arith.constant 0 : i32
        %dma_wait3A_375 = tpu.memref_slice %arg2[%add3A, %dma_wait3A_374] : memref<4x416xi32, #tpu.memory_space<hbm>> -> memref<1x416xi32, #tpu.memory_space<hbm>>
        %dma_wait3A_376 = tpu.memref_squeeze %dma_wait3A_375 : memref<1x416xi32, #tpu.memory_space<hbm>> -> memref<416xi32, #tpu.memory_space<hbm>>
        tpu.wait_dma2 semaphore(%run_scoped3A : memref<!tpu.dma_semaphore, #tpu.memory_space<semaphore_mem>>) src(%dma_wait3A_376 : memref<416xi32, #tpu.memory_space<hbm>>) dst(%arg5 : memref<416xi32, #tpu.memory_space<vmem>>)
        tpu.yield
      }) : () -> ()
      %get3A = arith.constant 0 : index
      %get3A_3 = tpu.vector_load %arg5[%get3A] {strides = array<i32>} : memref<416xi32, #tpu.memory_space<vmem>>, vector<16xi32>,
      %get3A_4 = vector.shape_cast %get3A_3 : vector<16xi32> to vector<16xi32>
      %mul3A_5 = arith.constant 30720 : i32
      %mul3A_6 = arith.muli %add3A, %mul3A_5 : i32
      %add3A_7 = vector.broadcast %mul3A_6 : i32 to vector<16xi32>
      %add3A_8 = arith.addi %get3A_4, %add3A_7 : vector<16xi32>
      %swap3A = arith.constant 0 : index
      %swap3A_9 = tpu.vector_load %arg6[%swap3A] {strides = array<i32>} : memref<416xi32, #tpu.memory_space<vmem>>, vector<16xi32>,
      %swap3A_10 = vector.shape_cast %swap3A_9 : vector<16xi32> to vector<16xi32>
      %swap3A_11 = vector.shape_cast %add3A_8 : vector<16xi32> to vector<16xi32>
      tpu.vector_store %arg6[%swap3A], %swap3A_11 {strides = array<i32>} : memref<416xi32, #tpu.memory_space<vmem>>, vector<16xi32>,
      %get3A_12 = arith.constant 16 : index
      %get3A_13 = tpu.vector_load %arg5[%get3A_12] {strides = array<i32>} : memref<416xi32, #tpu.memory_space<vmem>>, vector<16xi32>,
      %get3A_14 = vector.shape_cast %get3A_13 : vector<16xi32> to vector<16xi32>
      %mul3A_15 = arith.constant 30720 : i32
      %mul3A_16 = arith.muli %add3A, %mul3A_15 : i32
      %add3A_17 = vector.broadcast %mul3A_16 : i32 to vector<16xi32>
      %add3A_18 = arith.addi %get3A_14, %add3A_17 : vector<16xi32>
      %swap3A_19 = arith.constant 16 : index
      %swap3A_20 = tpu.vector_load %arg6[%swap3A_19] {strides = array<i32>} : memref<416xi32, #tpu.memory_space<vmem>>, vector<16xi32>,
      %swap3A_21 = vector.shape_cast %swap3A_20 : vector<16xi32> to vector<16xi32>
      %swap3A_22 = vector.shape_cast %add3A_18 : vector<16xi32> to vector<16xi32>
      tpu.vector_store %arg6[%swap3A_19], %swap3A_22 {strides = array<i32>} : memref<416xi32, #tpu.memory_space<vmem>>, vector<16xi32>,
      %get3A_23 = arith.constant 32 : index
      %get3A_24 = tpu.vector_load %arg5[%get3A_23] {strides = array<i32>} : memref<416xi32, #tpu.memory_space<vmem>>, vector<16xi32>,
      %get3A_25 = vector.shape_cast %get3A_24 : vector<16xi32> to vector<16xi32>
      %mul3A_26 = arith.constant 30720 : i32
      %mul3A_27 = arith.muli %add3A, %mul3A_26 : i32
      %add3A_28 = vector.broadcast %mul3A_27 : i32 to vector<16xi32>
      %add3A_29 = arith.addi %get3A_25, %add3A_28 : vector<16xi32>
      %swap3A_30 = arith.constant 32 : index
      %swap3A_31 = tpu.vector_load %arg6[%swap3A_30] {strides = array<i32>} : memref<416xi32, #tpu.memory_space<vmem>>, vector<16xi32>,
      %swap3A_32 = vector.shape_cast %swap3A_31 : vector<16xi32> to vector<16xi32>
      %swap3A_33 = vector.shape_cast %add3A_29 : vector<16xi32> to vector<16xi32>
      tpu.vector_store %arg6[%swap3A_30], %swap3A_33 {strides = array<i32>} : memref<416xi32, #tpu.memory_space<vmem>>, vector<16xi32>,
      %get3A_34 = arith.constant 48 : index
      %get3A_35 = tpu.vector_load %arg5[%get3A_34] {strides = array<i32>} : memref<416xi32, #tpu.memory_space<vmem>>, vector<16xi32>,
      %get3A_36 = vector.shape_cast %get3A_35 : vector<16xi32> to vector<16xi32>
      %mul3A_37 = arith.constant 30720 : i32
      %mul3A_38 = arith.muli %add3A, %mul3A_37 : i32
      %add3A_39 = vector.broadcast %mul3A_38 : i32 to vector<16xi32>
      %add3A_40 = arith.addi %get3A_36, %add3A_39 : vector<16xi32>
      %swap3A_41 = arith.constant 48 : index
      %swap3A_42 = tpu.vector_load %arg6[%swap3A_41] {strides = array<i32>} : memref<416xi32, #tpu.memory_space<vmem>>, vector<16xi32>,
      %swap3A_43 = vector.shape_cast %swap3A_42 : vector<16xi32> to vector<16xi32>
      %swap3A_44 = vector.shape_cast %add3A_40 : vector<16xi32> to vector<16xi32>
      tpu.vector_store %arg6[%swap3A_41], %swap3A_44 {strides = array<i32>} : memref<416xi32, #tpu.memory_space<vmem>>, vector<16xi32>,
      %get3A_45 = arith.constant 64 : index
      %get3A_46 = tpu.vector_load %arg5[%get3A_45] {strides = array<i32>} : memref<416xi32, #tpu.memory_space<vmem>>, vector<16xi32>,
      %get3A_47 = vector.shape_cast %get3A_46 : vector<16xi32> to vector<16xi32>
      %mul3A_48 = arith.constant 30720 : i32
      %mul3A_49 = arith.muli %add3A, %mul3A_48 : i32
      %add3A_50 = vector.broadcast %mul3A_49 : i32 to vector<16xi32>
      %add3A_51 = arith.addi %get3A_47, %add3A_50 : vector<16xi32>
      %swap3A_52 = arith.constant 64 : index
      %swap3A_53 = tpu.vector_load %arg6[%swap3A_52] {strides = array<i32>} : memref<416xi32, #tpu.memory_space<vmem>>, vector<16xi32>,
      %swap3A_54 = vector.shape_cast %swap3A_53 : vector<16xi32> to vector<16xi32>
      %swap3A_55 = vector.shape_cast %add3A_51 : vector<16xi32> to vector<16xi32>
      tpu.vector_store %arg6[%swap3A_52], %swap3A_55 {strides = array<i32>} : memref<416xi32, #tpu.memory_space<vmem>>, vector<16xi32>,
      %get3A_56 = arith.constant 80 : index
      %get3A_57 = tpu.vector_load %arg5[%get3A_56] {strides = array<i32>} : memref<416xi32, #tpu.memory_space<vmem>>, vector<16xi32>,
      %get3A_58 = vector.shape_cast %get3A_57 : vector<16xi32> to vector<16xi32>
      %mul3A_59 = arith.constant 30720 : i32
      %mul3A_60 = arith.muli %add3A, %mul3A_59 : i32
      %add3A_61 = vector.broadcast %mul3A_60 : i32 to vector<16xi32>
      %add3A_62 = arith.addi %get3A_58, %add3A_61 : vector<16xi32>
      %swap3A_63 = arith.constant 80 : index
      %swap3A_64 = tpu.vector_load %arg6[%swap3A_63] {strides = array<i32>} : memref<416xi32, #tpu.memory_space<vmem>>, vector<16xi32>,
      %swap3A_65 = vector.shape_cast %swap3A_64 : vector<16xi32> to vector<16xi32>
      %swap3A_66 = vector.shape_cast %add3A_62 : vector<16xi32> to vector<16xi32>
      tpu.vector_store %arg6[%swap3A_63], %swap3A_66 {strides = array<i32>} : memref<416xi32, #tpu.memory_space<vmem>>, vector<16xi32>,
      %get3A_67 = arith.constant 96 : index
      %get3A_68 = tpu.vector_load %arg5[%get3A_67] {strides = array<i32>} : memref<416xi32, #tpu.memory_space<vmem>>, vector<16xi32>,
      %get3A_69 = vector.shape_cast %get3A_68 : vector<16xi32> to vector<16xi32>
      %mul3A_70 = arith.constant 30720 : i32
      %mul3A_71 = arith.muli %add3A, %mul3A_70 : i32
      %add3A_72 = vector.broadcast %mul3A_71 : i32 to vector<16xi32>
      %add3A_73 = arith.addi %get3A_69, %add3A_72 : vector<16xi32>
      %swap3A_74 = arith.constant 96 : index
      %swap3A_75 = tpu.vector_load %arg6[%swap3A_74] {strides = array<i32>} : memref<416xi32, #tpu.memory_space<vmem>>, vector<16xi32>,
      %swap3A_76 = vector.shape_cast %swap3A_75 : vector<16xi32> to vector<16xi32>
      %swap3A_77 = vector.shape_cast %add3A_73 : vector<16xi32> to vector<16xi32>
      tpu.vector_store %arg6[%swap3A_74], %swap3A_77 {strides = array<i32>} : memref<416xi32, #tpu.memory_space<vmem>>, vector<16xi32>,
      %get3A_78 = arith.constant 112 : index
      %get3A_79 = tpu.vector_load %arg5[%get3A_78] {strides = array<i32>} : memref<416xi32, #tpu.memory_space<vmem>>, vector<16xi32>,
      %get3A_80 = vector.shape_cast %get3A_79 : vector<16xi32> to vector<16xi32>
      %mul3A_81 = arith.constant 30720 : i32
      %mul3A_82 = arith.muli %add3A, %mul3A_81 : i32
      %add3A_83 = vector.broadcast %mul3A_82 : i32 to vector<16xi32>
      %add3A_84 = arith.addi %get3A_80, %add3A_83 : vector<16xi32>
      %swap3A_85 = arith.constant 112 : index
      %swap3A_86 = tpu.vector_load %arg6[%swap3A_85] {strides = array<i32>} : memref<416xi32, #tpu.memory_space<vmem>>, vector<16xi32>,
      %swap3A_87 = vector.shape_cast %swap3A_86 : vector<16xi32> to vector<16xi32>
      %swap3A_88 = vector.shape_cast %add3A_84 : vector<16xi32> to vector<16xi32>
      tpu.vector_store %arg6[%swap3A_85], %swap3A_88 {strides = array<i32>} : memref<416xi32, #tpu.memory_space<vmem>>, vector<16xi32>,
      %get3A_89 = arith.constant 128 : index
      %get3A_90 = tpu.vector_load %arg5[%get3A_89] {strides = array<i32>} : memref<416xi32, #tpu.memory_space<vmem>>, vector<16xi32>,
      %get3A_91 = vector.shape_cast %get3A_90 : vector<16xi32> to vector<16xi32>
      %mul3A_92 = arith.constant 30720 : i32
      %mul3A_93 = arith.muli %add3A, %mul3A_92 : i32
      %add3A_94 = vector.broadcast %mul3A_93 : i32 to vector<16xi32>
      %add3A_95 = arith.addi %get3A_91, %add3A_94 : vector<16xi32>
      %swap3A_96 = arith.constant 128 : index
      %swap3A_97 = tpu.vector_load %arg6[%swap3A_96] {strides = array<i32>} : memref<416xi32, #tpu.memory_space<vmem>>, vector<16xi32>,
      %swap3A_98 = vector.shape_cast %swap3A_97 : vector<16xi32> to vector<16xi32>
      %swap3A_99 = vector.shape_cast %add3A_95 : vector<16xi32> to vector<16xi32>
      tpu.vector_store %arg6[%swap3A_96], %swap3A_99 {strides = array<i32>} : memref<416xi32, #tpu.memory_space<vmem>>, vector<16xi32>,
      %get3A_100 = arith.constant 144 : index
      %get3A_101 = tpu.vector_load %arg5[%get3A_100] {strides = array<i32>} : memref<416xi32, #tpu.memory_space<vmem>>, vector<16xi32>,
      %get3A_102 = vector.shape_cast %get3A_101 : vector<16xi32> to vector<16xi32>
      %mul3A_103 = arith.constant 30720 : i32
      %mul3A_104 = arith.muli %add3A, %mul3A_103 : i32
      %add3A_105 = vector.broadcast %mul3A_104 : i32 to vector<16xi32>
      %add3A_106 = arith.addi %get3A_102, %add3A_105 : vector<16xi32>
      %swap3A_107 = arith.constant 144 : index
      %swap3A_108 = tpu.vector_load %arg6[%swap3A_107] {strides = array<i32>} : memref<416xi32, #tpu.memory_space<vmem>>, vector<16xi32>,
      %swap3A_109 = vector.shape_cast %swap3A_108 : vector<16xi32> to vector<16xi32>
      %swap3A_110 = vector.shape_cast %add3A_106 : vector<16xi32> to vector<16xi32>
      tpu.vector_store %arg6[%swap3A_107], %swap3A_110 {strides = array<i32>} : memref<416xi32, #tpu.memory_space<vmem>>, vector<16xi32>,
      %get3A_111 = arith.constant 160 : index
      %get3A_112 = tpu.vector_load %arg5[%get3A_111] {strides = array<i32>} : memref<416xi32, #tpu.memory_space<vmem>>, vector<16xi32>,
      %get3A_113 = vector.shape_cast %get3A_112 : vector<16xi32> to vector<16xi32>
      %mul3A_114 = arith.constant 30720 : i32
      %mul3A_115 = arith.muli %add3A, %mul3A_114 : i32
      %add3A_116 = vector.broadcast %mul3A_115 : i32 to vector<16xi32>
      %add3A_117 = arith.addi %get3A_113, %add3A_116 : vector<16xi32>
      %swap3A_118 = arith.constant 160 : index
      %swap3A_119 = tpu.vector_load %arg6[%swap3A_118] {strides = array<i32>} : memref<416xi32, #tpu.memory_space<vmem>>, vector<16xi32>,
      %swap3A_120 = vector.shape_cast %swap3A_119 : vector<16xi32> to vector<16xi32>
      %swap3A_121 = vector.shape_cast %add3A_117 : vector<16xi32> to vector<16xi32>
      tpu.vector_store %arg6[%swap3A_118], %swap3A_121 {strides = array<i32>} : memref<416xi32, #tpu.memory_space<vmem>>, vector<16xi32>,
      %get3A_122 = arith.constant 176 : index
      %get3A_123 = tpu.vector_load %arg5[%get3A_122] {strides = array<i32>} : memref<416xi32, #tpu.memory_space<vmem>>, vector<16xi32>,
      %get3A_124 = vector.shape_cast %get3A_123 : vector<16xi32> to vector<16xi32>
      %mul3A_125 = arith.constant 30720 : i32
      %mul3A_126 = arith.muli %add3A, %mul3A_125 : i32
      %add3A_127 = vector.broadcast %mul3A_126 : i32 to vector<16xi32>
      %add3A_128 = arith.addi %get3A_124, %add3A_127 : vector<16xi32>
      %swap3A_129 = arith.constant 176 : index
      %swap3A_130 = tpu.vector_load %arg6[%swap3A_129] {strides = array<i32>} : memref<416xi32, #tpu.memory_space<vmem>>, vector<16xi32>,
      %swap3A_131 = vector.shape_cast %swap3A_130 : vector<16xi32> to vector<16xi32>
      %swap3A_132 = vector.shape_cast %add3A_128 : vector<16xi32> to vector<16xi32>
      tpu.vector_store %arg6[%swap3A_129], %swap3A_132 {strides = array<i32>} : memref<416xi32, #tpu.memory_space<vmem>>, vector<16xi32>,
      %get3A_133 = arith.constant 192 : index
      %get3A_134 = tpu.vector_load %arg5[%get3A_133] {strides = array<i32>} : memref<416xi32, #tpu.memory_space<vmem>>, vector<16xi32>,
      %get3A_135 = vector.shape_cast %get3A_134 : vector<16xi32> to vector<16xi32>
      %mul3A_136 = arith.constant 30720 : i32
      %mul3A_137 = arith.muli %add3A, %mul3A_136 : i32
      %add3A_138 = vector.broadcast %mul3A_137 : i32 to vector<16xi32>
      %add3A_139 = arith.addi %get3A_135, %add3A_138 : vector<16xi32>
      %swap3A_140 = arith.constant 192 : index
      %swap3A_141 = tpu.vector_load %arg6[%swap3A_140] {strides = array<i32>} : memref<416xi32, #tpu.memory_space<vmem>>, vector<16xi32>,
      %swap3A_142 = vector.shape_cast %swap3A_141 : vector<16xi32> to vector<16xi32>
      %swap3A_143 = vector.shape_cast %add3A_139 : vector<16xi32> to vector<16xi32>
      tpu.vector_store %arg6[%swap3A_140], %swap3A_143 {strides = array<i32>} : memref<416xi32, #tpu.memory_space<vmem>>, vector<16xi32>,
      %get3A_144 = arith.constant 208 : index
      %get3A_145 = tpu.vector_load %arg5[%get3A_144] {strides = array<i32>} : memref<416xi32, #tpu.memory_space<vmem>>, vector<16xi32>,
      %get3A_146 = vector.shape_cast %get3A_145 : vector<16xi32> to vector<16xi32>
      %mul3A_147 = arith.constant 30720 : i32
      %mul3A_148 = arith.muli %add3A, %mul3A_147 : i32
      %add3A_149 = vector.broadcast %mul3A_148 : i32 to vector<16xi32>
      %add3A_150 = arith.addi %get3A_146, %add3A_149 : vector<16xi32>
      %swap3A_151 = arith.constant 208 : index
      %swap3A_152 = tpu.vector_load %arg6[%swap3A_151] {strides = array<i32>} : memref<416xi32, #tpu.memory_space<vmem>>, vector<16xi32>,
      %swap3A_153 = vector.shape_cast %swap3A_152 : vector<16xi32> to vector<16xi32>
      %swap3A_154 = vector.shape_cast %add3A_150 : vector<16xi32> to vector<16xi32>
      tpu.vector_store %arg6[%swap3A_151], %swap3A_154 {strides = array<i32>} : memref<416xi32, #tpu.memory_space<vmem>>, vector<16xi32>,
      %get3A_155 = arith.constant 224 : index
      %get3A_156 = tpu.vector_load %arg5[%get3A_155] {strides = array<i32>} : memref<416xi32, #tpu.memory_space<vmem>>, vector<16xi32>,
      %get3A_157 = vector.shape_cast %get3A_156 : vector<16xi32> to vector<16xi32>
      %mul3A_158 = arith.constant 30720 : i32
      %mul3A_159 = arith.muli %add3A, %mul3A_158 : i32
      %add3A_160 = vector.broadcast %mul3A_159 : i32 to vector<16xi32>
      %add3A_161 = arith.addi %get3A_157, %add3A_160 : vector<16xi32>
      %swap3A_162 = arith.constant 224 : index
      %swap3A_163 = tpu.vector_load %arg6[%swap3A_162] {strides = array<i32>} : memref<416xi32, #tpu.memory_space<vmem>>, vector<16xi32>,
      %swap3A_164 = vector.shape_cast %swap3A_163 : vector<16xi32> to vector<16xi32>
      %swap3A_165 = vector.shape_cast %add3A_161 : vector<16xi32> to vector<16xi32>
      tpu.vector_store %arg6[%swap3A_162], %swap3A_165 {strides = array<i32>} : memref<416xi32, #tpu.memory_space<vmem>>, vector<16xi32>,
      %get3A_166 = arith.constant 240 : index
      %get3A_167 = tpu.vector_load %arg5[%get3A_166] {strides = array<i32>} : memref<416xi32, #tpu.memory_space<vmem>>, vector<16xi32>,
      %get3A_168 = vector.shape_cast %get3A_167 : vector<16xi32> to vector<16xi32>
      %mul3A_169 = arith.constant 30720 : i32
      %mul3A_170 = arith.muli %add3A, %mul3A_169 : i32
      %add3A_171 = vector.broadcast %mul3A_170 : i32 to vector<16xi32>
      %add3A_172 = arith.addi %get3A_168, %add3A_171 : vector<16xi32>
      %swap3A_173 = arith.constant 240 : index
      %swap3A_174 = tpu.vector_load %arg6[%swap3A_173] {strides = array<i32>} : memref<416xi32, #tpu.memory_space<vmem>>, vector<16xi32>,
      %swap3A_175 = vector.shape_cast %swap3A_174 : vector<16xi32> to vector<16xi32>
      %swap3A_176 = vector.shape_cast %add3A_172 : vector<16xi32> to vector<16xi32>
      tpu.vector_store %arg6[%swap3A_173], %swap3A_176 {strides = array<i32>} : memref<416xi32, #tpu.memory_space<vmem>>, vector<16xi32>,
      %get3A_177 = arith.constant 256 : index
      %get3A_178 = tpu.vector_load %arg5[%get3A_177] {strides = array<i32>} : memref<416xi32, #tpu.memory_space<vmem>>, vector<16xi32>,
      %get3A_179 = vector.shape_cast %get3A_178 : vector<16xi32> to vector<16xi32>
      %mul3A_180 = arith.constant 30720 : i32
      %mul3A_181 = arith.muli %add3A, %mul3A_180 : i32
      %add3A_182 = vector.broadcast %mul3A_181 : i32 to vector<16xi32>
      %add3A_183 = arith.addi %get3A_179, %add3A_182 : vector<16xi32>
      %swap3A_184 = arith.constant 256 : index
      %swap3A_185 = tpu.vector_load %arg6[%swap3A_184] {strides = array<i32>} : memref<416xi32, #tpu.memory_space<vmem>>, vector<16xi32>,
      %swap3A_186 = vector.shape_cast %swap3A_185 : vector<16xi32> to vector<16xi32>
      %swap3A_187 = vector.shape_cast %add3A_183 : vector<16xi32> to vector<16xi32>
      tpu.vector_store %arg6[%swap3A_184], %swap3A_187 {strides = array<i32>} : memref<416xi32, #tpu.memory_space<vmem>>, vector<16xi32>,
      %get3A_188 = arith.constant 272 : index
      %get3A_189 = tpu.vector_load %arg5[%get3A_188] {strides = array<i32>} : memref<416xi32, #tpu.memory_space<vmem>>, vector<16xi32>,
      %get3A_190 = vector.shape_cast %get3A_189 : vector<16xi32> to vector<16xi32>
      %mul3A_191 = arith.constant 30720 : i32
      %mul3A_192 = arith.muli %add3A, %mul3A_191 : i32
      %add3A_193 = vector.broadcast %mul3A_192 : i32 to vector<16xi32>
      %add3A_194 = arith.addi %get3A_190, %add3A_193 : vector<16xi32>
      %swap3A_195 = arith.constant 272 : index
      %swap3A_196 = tpu.vector_load %arg6[%swap3A_195] {strides = array<i32>} : memref<416xi32, #tpu.memory_space<vmem>>, vector<16xi32>,
      %swap3A_197 = vector.shape_cast %swap3A_196 : vector<16xi32> to vector<16xi32>
      %swap3A_198 = vector.shape_cast %add3A_194 : vector<16xi32> to vector<16xi32>
      tpu.vector_store %arg6[%swap3A_195], %swap3A_198 {strides = array<i32>} : memref<416xi32, #tpu.memory_space<vmem>>, vector<16xi32>,
      %get3A_199 = arith.constant 288 : index
      %get3A_200 = tpu.vector_load %arg5[%get3A_199] {strides = array<i32>} : memref<416xi32, #tpu.memory_space<vmem>>, vector<16xi32>,
      %get3A_201 = vector.shape_cast %get3A_200 : vector<16xi32> to vector<16xi32>
      %mul3A_202 = arith.constant 30720 : i32
      %mul3A_203 = arith.muli %add3A, %mul3A_202 : i32
      %add3A_204 = vector.broadcast %mul3A_203 : i32 to vector<16xi32>
      %add3A_205 = arith.addi %get3A_201, %add3A_204 : vector<16xi32>
      %swap3A_206 = arith.constant 288 : index
      %swap3A_207 = tpu.vector_load %arg6[%swap3A_206] {strides = array<i32>} : memref<416xi32, #tpu.memory_space<vmem>>, vector<16xi32>,
      %swap3A_208 = vector.shape_cast %swap3A_207 : vector<16xi32> to vector<16xi32>
      %swap3A_209 = vector.shape_cast %add3A_205 : vector<16xi32> to vector<16xi32>
      tpu.vector_store %arg6[%swap3A_206], %swap3A_209 {strides = array<i32>} : memref<416xi32, #tpu.memory_space<vmem>>, vector<16xi32>,
      %get3A_210 = arith.constant 304 : index
      %get3A_211 = tpu.vector_load %arg5[%get3A_210] {strides = array<i32>} : memref<416xi32, #tpu.memory_space<vmem>>, vector<16xi32>,
      %get3A_212 = vector.shape_cast %get3A_211 : vector<16xi32> to vector<16xi32>
      %mul3A_213 = arith.constant 30720 : i32
      %mul3A_214 = arith.muli %add3A, %mul3A_213 : i32
      %add3A_215 = vector.broadcast %mul3A_214 : i32 to vector<16xi32>
      %add3A_216 = arith.addi %get3A_212, %add3A_215 : vector<16xi32>
      %swap3A_217 = arith.constant 304 : index
      %swap3A_218 = tpu.vector_load %arg6[%swap3A_217] {strides = array<i32>} : memref<416xi32, #tpu.memory_space<vmem>>, vector<16xi32>,
      %swap3A_219 = vector.shape_cast %swap3A_218 : vector<16xi32> to vector<16xi32>
      %swap3A_220 = vector.shape_cast %add3A_216 : vector<16xi32> to vector<16xi32>
      tpu.vector_store %arg6[%swap3A_217], %swap3A_220 {strides = array<i32>} : memref<416xi32, #tpu.memory_space<vmem>>, vector<16xi32>,
      %get3A_221 = arith.constant 320 : index
      %get3A_222 = tpu.vector_load %arg5[%get3A_221] {strides = array<i32>} : memref<416xi32, #tpu.memory_space<vmem>>, vector<16xi32>,
      %get3A_223 = vector.shape_cast %get3A_222 : vector<16xi32> to vector<16xi32>
      %mul3A_224 = arith.constant 30720 : i32
      %mul3A_225 = arith.muli %add3A, %mul3A_224 : i32
      %add3A_226 = vector.broadcast %mul3A_225 : i32 to vector<16xi32>
      %add3A_227 = arith.addi %get3A_223, %add3A_226 : vector<16xi32>
      %swap3A_228 = arith.constant 320 : index
      %swap3A_229 = tpu.vector_load %arg6[%swap3A_228] {strides = array<i32>} : memref<416xi32, #tpu.memory_space<vmem>>, vector<16xi32>,
      %swap3A_230 = vector.shape_cast %swap3A_229 : vector<16xi32> to vector<16xi32>
      %swap3A_231 = vector.shape_cast %add3A_227 : vector<16xi32> to vector<16xi32>
      tpu.vector_store %arg6[%swap3A_228], %swap3A_231 {strides = array<i32>} : memref<416xi32, #tpu.memory_space<vmem>>, vector<16xi32>,
      %get3A_232 = arith.constant 336 : index
      %get3A_233 = tpu.vector_load %arg5[%get3A_232] {strides = array<i32>} : memref<416xi32, #tpu.memory_space<vmem>>, vector<16xi32>,
      %get3A_234 = vector.shape_cast %get3A_233 : vector<16xi32> to vector<16xi32>
      %mul3A_235 = arith.constant 30720 : i32
      %mul3A_236 = arith.muli %add3A, %mul3A_235 : i32
      %add3A_237 = vector.broadcast %mul3A_236 : i32 to vector<16xi32>
      %add3A_238 = arith.addi %get3A_234, %add3A_237 : vector<16xi32>
      %swap3A_239 = arith.constant 336 : index
      %swap3A_240 = tpu.vector_load %arg6[%swap3A_239] {strides = array<i32>} : memref<416xi32, #tpu.memory_space<vmem>>, vector<16xi32>,
      %swap3A_241 = vector.shape_cast %swap3A_240 : vector<16xi32> to vector<16xi32>
      %swap3A_242 = vector.shape_cast %add3A_238 : vector<16xi32> to vector<16xi32>
      tpu.vector_store %arg6[%swap3A_239], %swap3A_242 {strides = array<i32>} : memref<416xi32, #tpu.memory_space<vmem>>, vector<16xi32>,
      %get3A_243 = arith.constant 352 : index
      %get3A_244 = tpu.vector_load %arg5[%get3A_243] {strides = array<i32>} : memref<416xi32, #tpu.memory_space<vmem>>, vector<16xi32>,
      %get3A_245 = vector.shape_cast %get3A_244 : vector<16xi32> to vector<16xi32>
      %mul3A_246 = arith.constant 30720 : i32
      %mul3A_247 = arith.muli %add3A, %mul3A_246 : i32
      %add3A_248 = vector.broadcast %mul3A_247 : i32 to vector<16xi32>
      %add3A_249 = arith.addi %get3A_245, %add3A_248 : vector<16xi32>
      %swap3A_250 = arith.constant 352 : index
      %swap3A_251 = tpu.vector_load %arg6[%swap3A_250] {strides = array<i32>} : memref<416xi32, #tpu.memory_space<vmem>>, vector<16xi32>,
      %swap3A_252 = vector.shape_cast %swap3A_251 : vector<16xi32> to vector<16xi32>
      %swap3A_253 = vector.shape_cast %add3A_249 : vector<16xi32> to vector<16xi32>
      tpu.vector_store %arg6[%swap3A_250], %swap3A_253 {strides = array<i32>} : memref<416xi32, #tpu.memory_space<vmem>>, vector<16xi32>,
      %get3A_254 = arith.constant 368 : index
      %get3A_255 = tpu.vector_load %arg5[%get3A_254] {strides = array<i32>} : memref<416xi32, #tpu.memory_space<vmem>>, vector<16xi32>,
      %get3A_256 = vector.shape_cast %get3A_255 : vector<16xi32> to vector<16xi32>
      %mul3A_257 = arith.constant 30720 : i32
      %mul3A_258 = arith.muli %add3A, %mul3A_257 : i32
      %add3A_259 = vector.broadcast %mul3A_258 : i32 to vector<16xi32>
      %add3A_260 = arith.addi %get3A_256, %add3A_259 : vector<16xi32>
      %swap3A_261 = arith.constant 368 : index
      %swap3A_262 = tpu.vector_load %arg6[%swap3A_261] {strides = array<i32>} : memref<416xi32, #tpu.memory_space<vmem>>, vector<16xi32>,
      %swap3A_263 = vector.shape_cast %swap3A_262 : vector<16xi32> to vector<16xi32>
      %swap3A_264 = vector.shape_cast %add3A_260 : vector<16xi32> to vector<16xi32>
      tpu.vector_store %arg6[%swap3A_261], %swap3A_264 {strides = array<i32>} : memref<416xi32, #tpu.memory_space<vmem>>, vector<16xi32>,
      %get3A_265 = arith.constant 384 : index
      %get3A_266 = tpu.vector_load %arg5[%get3A_265] {strides = array<i32>} : memref<416xi32, #tpu.memory_space<vmem>>, vector<16xi32>,
      %get3A_267 = vector.shape_cast %get3A_266 : vector<16xi32> to vector<16xi32>
      %mul3A_268 = arith.constant 30720 : i32
      %mul3A_269 = arith.muli %add3A, %mul3A_268 : i32
      %add3A_270 = vector.broadcast %mul3A_269 : i32 to vector<16xi32>
      %add3A_271 = arith.addi %get3A_267, %add3A_270 : vector<16xi32>
      %swap3A_272 = arith.constant 384 : index
      %swap3A_273 = tpu.vector_load %arg6[%swap3A_272] {strides = array<i32>} : memref<416xi32, #tpu.memory_space<vmem>>, vector<16xi32>,
      %swap3A_274 = vector.shape_cast %swap3A_273 : vector<16xi32> to vector<16xi32>
      %swap3A_275 = vector.shape_cast %add3A_271 : vector<16xi32> to vector<16xi32>
      tpu.vector_store %arg6[%swap3A_272], %swap3A_275 {strides = array<i32>} : memref<416xi32, #tpu.memory_space<vmem>>, vector<16xi32>,
      %get3A_276 = arith.constant 400 : index
      %get3A_277 = tpu.vector_load %arg5[%get3A_276] {strides = array<i32>} : memref<416xi32, #tpu.memory_space<vmem>>, vector<16xi32>,
      %get3A_278 = vector.shape_cast %get3A_277 : vector<16xi32> to vector<16xi32>
      %mul3A_279 = arith.constant 30720 : i32
      %mul3A_280 = arith.muli %add3A, %mul3A_279 : i32
      %add3A_281 = vector.broadcast %mul3A_280 : i32 to vector<16xi32>
      %add3A_282 = arith.addi %get3A_278, %add3A_281 : vector<16xi32>
      %swap3A_283 = arith.constant 400 : index
      %swap3A_284 = tpu.vector_load %arg6[%swap3A_283] {strides = array<i32>} : memref<416xi32, #tpu.memory_space<vmem>>, vector<16xi32>,
      %swap3A_285 = vector.shape_cast %swap3A_284 : vector<16xi32> to vector<16xi32>
      %swap3A_286 = vector.shape_cast %add3A_282 : vector<16xi32> to vector<16xi32>
      tpu.vector_store %arg6[%swap3A_283], %swap3A_286 {strides = array<i32>} : memref<416xi32, #tpu.memory_space<vmem>>, vector<16xi32>,
      %dma_start3A = arith.constant 0 : i32
      %dma_start3A_287 = arith.constant 0 : i32
      %dma_start3A_288 = tpu.memref_slice %arg7[%dma_start3A, %dma_start3A_287] : memref<104x256xf32, #tpu.memory_space<vmem>> -> memref<104x256xf32, #tpu.memory_space<vmem>>
      %dma_start3A_289 = arith.constant 0 : i32
      %dma_start3A_290 = tpu.memref_slice %arg6[%dma_start3A_289] : memref<416xi32, #tpu.memory_space<vmem>> -> memref<104xi32, #tpu.memory_space<vmem>>
      %dma_start3A_291 = arith.constant 0 : i32
      %dma_start3A_292 = arith.constant 0 : i32
      %dma_start3A_293 = tpu.memref_slice %arg3[%dma_start3A_291, %dma_start3A_292] : memref<122880x256xf32, #tpu.memory_space<hbm>> -> memref<122880x256xf32, #tpu.memory_space<hbm>>
      tpu.enqueue_indirect_dma source(%dma_start3A_293 : memref<122880x256xf32, #tpu.memory_space<hbm>>) target(%dma_start3A_288 : memref<104x256xf32, #tpu.memory_space<vmem>>) offsets(%dma_start3A_290 : memref<104xi32, #tpu.memory_space<vmem>>) semaphore(%arg8 : memref<!tpu.dma_semaphore, #tpu.memory_space<semaphore_mem>>)
      %dma_wait3A = arith.constant 0 : i32
      %dma_wait3A_294 = arith.constant 0 : i32
      %dma_wait3A_295 = tpu.memref_slice %arg7[%dma_wait3A, %dma_wait3A_294] : memref<104x256xf32, #tpu.memory_space<vmem>> -> memref<104x256xf32, #tpu.memory_space<vmem>>
      %dma_wait3A_296 = arith.constant 0 : i32
      %dma_wait3A_297 = tpu.memref_slice %arg6[%dma_wait3A_296] : memref<416xi32, #tpu.memory_space<vmem>> -> memref<104xi32, #tpu.memory_space<vmem>>
      %dma_wait3A_298 = arith.constant 0 : i32
      %dma_wait3A_299 = arith.constant 0 : i32
      %dma_wait3A_300 = tpu.memref_slice %arg3[%dma_wait3A_298, %dma_wait3A_299] : memref<122880x256xf32, #tpu.memory_space<hbm>> -> memref<122880x256xf32, #tpu.memory_space<hbm>>
      tpu.wait_indirect_dma semaphore(%arg8 : memref<!tpu.dma_semaphore, #tpu.memory_space<semaphore_mem>>) src(%dma_wait3A_300 : memref<122880x256xf32, #tpu.memory_space<hbm>>) dst(%dma_wait3A_295 : memref<104x256xf32, #tpu.memory_space<vmem>>)
      %mul3A_301 = arith.constant 416 : i32
      %mul3A_302 = arith.muli %add3A, %mul3A_301 : i32
      %add3A_303 = arith.constant 0 : i32
      %add3A_304 = arith.addi %mul3A_302, %add3A_303 : i32
      "tpu.region"() ({
        %run_scoped3A = tpu.sem_alloc : memref<!tpu.dma_semaphore, #tpu.memory_space<semaphore_mem>>
        %dma_start3A_365 = arith.constant 0 : i32
        %dma_start3A_366 = arith.constant 0 : i32
        %dma_start3A_367 = tpu.memref_slice %arg7[%dma_start3A_365, %dma_start3A_366] : memref<104x256xf32, #tpu.memory_space<vmem>> -> memref<104x256xf32, #tpu.memory_space<vmem>>
        %dma_start3A_368 = arith.constant 0 : i32
        %dma_start3A_369 = tpu.memref_slice %arg4[%add3A_304, %dma_start3A_368] : memref<1664x256xf32, #tpu.memory_space<hbm>> -> memref<104x256xf32, #tpu.memory_space<hbm>>
        %dma_start3A_370 = arith.constant 0 : i32
        %dma_start3A_371 = tpu.memref_slice %arg4[%add3A_304, %dma_start3A_370] : memref<1664x256xf32, #tpu.memory_space<hbm>> -> memref<104x256xf32, #tpu.memory_space<hbm>>
        %dma_start3A_372 = arith.constant 0 : i32
        %dma_start3A_373 = arith.constant 0 : i32
        %dma_start3A_374 = tpu.memref_slice %arg7[%dma_start3A_372, %dma_start3A_373] : memref<104x256xf32, #tpu.memory_space<vmem>> -> memref<104x256xf32, #tpu.memory_space<vmem>>
        tpu.enqueue_dma source(%dma_start3A_374 : memref<104x256xf32, #tpu.memory_space<vmem>>) target(%dma_start3A_371 : memref<104x256xf32, #tpu.memory_space<hbm>>) target_semaphore(%run_scoped3A : memref<!tpu.dma_semaphore, #tpu.memory_space<semaphore_mem>>)
        %dma_wait3A_375 = arith.constant 0 : i32
        %dma_wait3A_376 = arith.constant 0 : i32
        %dma_wait3A_377 = tpu.memref_slice %arg7[%dma_wait3A_375, %dma_wait3A_376] : memref<104x256xf32, #tpu.memory_space<vmem>> -> memref<104x256xf32, #tpu.memory_space<vmem>>
        %dma_wait3A_378 = arith.constant 0 : i32
        %dma_wait3A_379 = tpu.memref_slice %arg4[%add3A_304, %dma_wait3A_378] : memref<1664x256xf32, #tpu.memory_space<hbm>> -> memref<104x256xf32, #tpu.memory_space<hbm>>
        %dma_wait3A_380 = arith.constant 0 : i32
        %dma_wait3A_381 = tpu.memref_slice %arg4[%add3A_304, %dma_wait3A_380] : memref<1664x256xf32, #tpu.memory_space<hbm>> -> memref<104x256xf32, #tpu.memory_space<hbm>>
        %dma_wait3A_382 = arith.constant 0 : i32
        %dma_wait3A_383 = arith.constant 0 : i32
        %dma_wait3A_384 = tpu.memref_slice %arg7[%dma_wait3A_382, %dma_wait3A_383] : memref<104x256xf32, #tpu.memory_space<vmem>> -> memref<104x256xf32, #tpu.memory_space<vmem>>
        tpu.wait_dma2 semaphore(%run_scoped3A : memref<!tpu.dma_semaphore, #tpu.memory_space<semaphore_mem>>) src(%dma_wait3A_384 : memref<104x256xf32, #tpu.memory_space<vmem>>) dst(%dma_wait3A_381 : memref<104x256xf32, #tpu.memory_space<hbm>>)
        tpu.yield
      }) : () -> ()
      %dma_start3A_305 = arith.constant 0 : i32
      %dma_start3A_306 = arith.constant 0 : i32
      %dma_start3A_307 = tpu.memref_slice %arg7[%dma_start3A_305, %dma_start3A_306] : memref<104x256xf32, #tpu.memory_space<vmem>> -> memref<104x256xf32, #tpu.memory_space<vmem>>
      %dma_start3A_308 = arith.constant 104 : i32
      %dma_start3A_309 = tpu.memref_slice %arg6[%dma_start3A_308] : memref<416xi32, #tpu.memory_space<vmem>> -> memref<104xi32, #tpu.memory_space<vmem>>
      %dma_start3A_310 = arith.constant 0 : i32
      %dma_start3A_311 = arith.constant 0 : i32
      %dma_start3A_312 = tpu.memref_slice %arg3[%dma_start3A_310, %dma_start3A_311] : memref<122880x256xf32, #tpu.memory_space<hbm>> -> memref<122880x256xf32, #tpu.memory_space<hbm>>
      tpu.enqueue_indirect_dma source(%dma_start3A_312 : memref<122880x256xf32, #tpu.memory_space<hbm>>) target(%dma_start3A_307 : memref<104x256xf32, #tpu.memory_space<vmem>>) offsets(%dma_start3A_309 : memref<104xi32, #tpu.memory_space<vmem>>) semaphore(%arg8 : memref<!tpu.dma_semaphore, #tpu.memory_space<semaphore_mem>>)
      %dma_wait3A_313 = arith.constant 0 : i32
      %dma_wait3A_314 = arith.constant 0 : i32
      %dma_wait3A_315 = tpu.memref_slice %arg7[%dma_wait3A_313, %dma_wait3A_314] : memref<104x256xf32, #tpu.memory_space<vmem>> -> memref<104x256xf32, #tpu.memory_space<vmem>>
      %dma_wait3A_316 = arith.constant 104 : i32
      %dma_wait3A_317 = tpu.memref_slice %arg6[%dma_wait3A_316] : memref<416xi32, #tpu.memory_space<vmem>> -> memref<104xi32, #tpu.memory_space<vmem>>
      %dma_wait3A_318 = arith.constant 0 : i32
      %dma_wait3A_319 = arith.constant 0 : i32
      %dma_wait3A_320 = tpu.memref_slice %arg3[%dma_wait3A_318, %dma_wait3A_319] : memref<122880x256xf32, #tpu.memory_space<hbm>> -> memref<122880x256xf32, #tpu.memory_space<hbm>>
      tpu.wait_indirect_dma semaphore(%arg8 : memref<!tpu.dma_semaphore, #tpu.memory_space<semaphore_mem>>) src(%dma_wait3A_320 : memref<122880x256xf32, #tpu.memory_space<hbm>>) dst(%dma_wait3A_315 : memref<104x256xf32, #tpu.memory_space<vmem>>)
      %mul3A_321 = arith.constant 416 : i32
      %mul3A_322 = arith.muli %add3A, %mul3A_321 : i32
      %add3A_323 = arith.constant 104 : i32
      %add3A_324 = arith.addi %mul3A_322, %add3A_323 : i32
      "tpu.region"() ({
        %run_scoped3A = tpu.sem_alloc : memref<!tpu.dma_semaphore, #tpu.memory_space<semaphore_mem>>
        %dma_start3A_365 = arith.constant 0 : i32
        %dma_start3A_366 = arith.constant 0 : i32
        %dma_start3A_367 = tpu.memref_slice %arg7[%dma_start3A_365, %dma_start3A_366] : memref<104x256xf32, #tpu.memory_space<vmem>> -> memref<104x256xf32, #tpu.memory_space<vmem>>
        %dma_start3A_368 = arith.constant 0 : i32
        %dma_start3A_369 = tpu.memref_slice %arg4[%add3A_324, %dma_start3A_368] : memref<1664x256xf32, #tpu.memory_space<hbm>> -> memref<104x256xf32, #tpu.memory_space<hbm>>
        %dma_start3A_370 = arith.constant 0 : i32
        %dma_start3A_371 = tpu.memref_slice %arg4[%add3A_324, %dma_start3A_370] : memref<1664x256xf32, #tpu.memory_space<hbm>> -> memref<104x256xf32, #tpu.memory_space<hbm>>
        %dma_start3A_372 = arith.constant 0 : i32
        %dma_start3A_373 = arith.constant 0 : i32
        %dma_start3A_374 = tpu.memref_slice %arg7[%dma_start3A_372, %dma_start3A_373] : memref<104x256xf32, #tpu.memory_space<vmem>> -> memref<104x256xf32, #tpu.memory_space<vmem>>
        tpu.enqueue_dma source(%dma_start3A_374 : memref<104x256xf32, #tpu.memory_space<vmem>>) target(%dma_start3A_371 : memref<104x256xf32, #tpu.memory_space<hbm>>) target_semaphore(%run_scoped3A : memref<!tpu.dma_semaphore, #tpu.memory_space<semaphore_mem>>)
        %dma_wait3A_375 = arith.constant 0 : i32
        %dma_wait3A_376 = arith.constant 0 : i32
        %dma_wait3A_377 = tpu.memref_slice %arg7[%dma_wait3A_375, %dma_wait3A_376] : memref<104x256xf32, #tpu.memory_space<vmem>> -> memref<104x256xf32, #tpu.memory_space<vmem>>
        %dma_wait3A_378 = arith.constant 0 : i32
        %dma_wait3A_379 = tpu.memref_slice %arg4[%add3A_324, %dma_wait3A_378] : memref<1664x256xf32, #tpu.memory_space<hbm>> -> memref<104x256xf32, #tpu.memory_space<hbm>>
        %dma_wait3A_380 = arith.constant 0 : i32
        %dma_wait3A_381 = tpu.memref_slice %arg4[%add3A_324, %dma_wait3A_380] : memref<1664x256xf32, #tpu.memory_space<hbm>> -> memref<104x256xf32, #tpu.memory_space<hbm>>
        %dma_wait3A_382 = arith.constant 0 : i32
        %dma_wait3A_383 = arith.constant 0 : i32
        %dma_wait3A_384 = tpu.memref_slice %arg7[%dma_wait3A_382, %dma_wait3A_383] : memref<104x256xf32, #tpu.memory_space<vmem>> -> memref<104x256xf32, #tpu.memory_space<vmem>>
        tpu.wait_dma2 semaphore(%run_scoped3A : memref<!tpu.dma_semaphore, #tpu.memory_space<semaphore_mem>>) src(%dma_wait3A_384 : memref<104x256xf32, #tpu.memory_space<vmem>>) dst(%dma_wait3A_381 : memref<104x256xf32, #tpu.memory_space<hbm>>)
        tpu.yield
      }) : () -> ()
      %dma_start3A_325 = arith.constant 0 : i32
      %dma_start3A_326 = arith.constant 0 : i32
      %dma_start3A_327 = tpu.memref_slice %arg7[%dma_start3A_325, %dma_start3A_326] : memref<104x256xf32, #tpu.memory_space<vmem>> -> memref<104x256xf32, #tpu.memory_space<vmem>>
      %dma_start3A_328 = arith.constant 208 : i32
      %dma_start3A_329 = tpu.memref_slice %arg6[%dma_start3A_328] : memref<416xi32, #tpu.memory_space<vmem>> -> memref<104xi32, #tpu.memory_space<vmem>>
      %dma_start3A_330 = arith.constant 0 : i32
      %dma_start3A_331 = arith.constant 0 : i32
      %dma_start3A_332 = tpu.memref_slice %arg3[%dma_start3A_330, %dma_start3A_331] : memref<122880x256xf32, #tpu.memory_space<hbm>> -> memref<122880x256xf32, #tpu.memory_space<hbm>>
      tpu.enqueue_indirect_dma source(%dma_start3A_332 : memref<122880x256xf32, #tpu.memory_space<hbm>>) target(%dma_start3A_327 : memref<104x256xf32, #tpu.memory_space<vmem>>) offsets(%dma_start3A_329 : memref<104xi32, #tpu.memory_space<vmem>>) semaphore(%arg8 : memref<!tpu.dma_semaphore, #tpu.memory_space<semaphore_mem>>)
      %dma_wait3A_333 = arith.constant 0 : i32
      %dma_wait3A_334 = arith.constant 0 : i32
      %dma_wait3A_335 = tpu.memref_slice %arg7[%dma_wait3A_333, %dma_wait3A_334] : memref<104x256xf32, #tpu.memory_space<vmem>> -> memref<104x256xf32, #tpu.memory_space<vmem>>
      %dma_wait3A_336 = arith.constant 208 : i32
      %dma_wait3A_337 = tpu.memref_slice %arg6[%dma_wait3A_336] : memref<416xi32, #tpu.memory_space<vmem>> -> memref<104xi32, #tpu.memory_space<vmem>>
      %dma_wait3A_338 = arith.constant 0 : i32
      %dma_wait3A_339 = arith.constant 0 : i32
      %dma_wait3A_340 = tpu.memref_slice %arg3[%dma_wait3A_338, %dma_wait3A_339] : memref<122880x256xf32, #tpu.memory_space<hbm>> -> memref<122880x256xf32, #tpu.memory_space<hbm>>
      tpu.wait_indirect_dma semaphore(%arg8 : memref<!tpu.dma_semaphore, #tpu.memory_space<semaphore_mem>>) src(%dma_wait3A_340 : memref<122880x256xf32, #tpu.memory_space<hbm>>) dst(%dma_wait3A_335 : memref<104x256xf32, #tpu.memory_space<vmem>>)
      %mul3A_341 = arith.constant 416 : i32
      %mul3A_342 = arith.muli %add3A, %mul3A_341 : i32
      %add3A_343 = arith.constant 208 : i32
      %add3A_344 = arith.addi %mul3A_342, %add3A_343 : i32
      "tpu.region"() ({
        %run_scoped3A = tpu.sem_alloc : memref<!tpu.dma_semaphore, #tpu.memory_space<semaphore_mem>>
        %dma_start3A_365 = arith.constant 0 : i32
        %dma_start3A_366 = arith.constant 0 : i32
        %dma_start3A_367 = tpu.memref_slice %arg7[%dma_start3A_365, %dma_start3A_366] : memref<104x256xf32, #tpu.memory_space<vmem>> -> memref<104x256xf32, #tpu.memory_space<vmem>>
        %dma_start3A_368 = arith.constant 0 : i32
        %dma_start3A_369 = tpu.memref_slice %arg4[%add3A_344, %dma_start3A_368] : memref<1664x256xf32, #tpu.memory_space<hbm>> -> memref<104x256xf32, #tpu.memory_space<hbm>>
        %dma_start3A_370 = arith.constant 0 : i32
        %dma_start3A_371 = tpu.memref_slice %arg4[%add3A_344, %dma_start3A_370] : memref<1664x256xf32, #tpu.memory_space<hbm>> -> memref<104x256xf32, #tpu.memory_space<hbm>>
        %dma_start3A_372 = arith.constant 0 : i32
        %dma_start3A_373 = arith.constant 0 : i32
        %dma_start3A_374 = tpu.memref_slice %arg7[%dma_start3A_372, %dma_start3A_373] : memref<104x256xf32, #tpu.memory_space<vmem>> -> memref<104x256xf32, #tpu.memory_space<vmem>>
        tpu.enqueue_dma source(%dma_start3A_374 : memref<104x256xf32, #tpu.memory_space<vmem>>) target(%dma_start3A_371 : memref<104x256xf32, #tpu.memory_space<hbm>>) target_semaphore(%run_scoped3A : memref<!tpu.dma_semaphore, #tpu.memory_space<semaphore_mem>>)
        %dma_wait3A_375 = arith.constant 0 : i32
        %dma_wait3A_376 = arith.constant 0 : i32
        %dma_wait3A_377 = tpu.memref_slice %arg7[%dma_wait3A_375, %dma_wait3A_376] : memref<104x256xf32, #tpu.memory_space<vmem>> -> memref<104x256xf32, #tpu.memory_space<vmem>>
        %dma_wait3A_378 = arith.constant 0 : i32
        %dma_wait3A_379 = tpu.memref_slice %arg4[%add3A_344, %dma_wait3A_378] : memref<1664x256xf32, #tpu.memory_space<hbm>> -> memref<104x256xf32, #tpu.memory_space<hbm>>
        %dma_wait3A_380 = arith.constant 0 : i32
        %dma_wait3A_381 = tpu.memref_slice %arg4[%add3A_344, %dma_wait3A_380] : memref<1664x256xf32, #tpu.memory_space<hbm>> -> memref<104x256xf32, #tpu.memory_space<hbm>>
        %dma_wait3A_382 = arith.constant 0 : i32
        %dma_wait3A_383 = arith.constant 0 : i32
        %dma_wait3A_384 = tpu.memref_slice %arg7[%dma_wait3A_382, %dma_wait3A_383] : memref<104x256xf32, #tpu.memory_space<vmem>> -> memref<104x256xf32, #tpu.memory_space<vmem>>
        tpu.wait_dma2 semaphore(%run_scoped3A : memref<!tpu.dma_semaphore, #tpu.memory_space<semaphore_mem>>) src(%dma_wait3A_384 : memref<104x256xf32, #tpu.memory_space<vmem>>) dst(%dma_wait3A_381 : memref<104x256xf32, #tpu.memory_space<hbm>>)
        tpu.yield
      }) : () -> ()
      %dma_start3A_345 = arith.constant 0 : i32
      %dma_start3A_346 = arith.constant 0 : i32
      %dma_start3A_347 = tpu.memref_slice %arg7[%dma_start3A_345, %dma_start3A_346] : memref<104x256xf32, #tpu.memory_space<vmem>> -> memref<104x256xf32, #tpu.memory_space<vmem>>
      %dma_start3A_348 = arith.constant 312 : i32
      %dma_start3A_349 = tpu.memref_slice %arg6[%dma_start3A_348] : memref<416xi32, #tpu.memory_space<vmem>> -> memref<104xi32, #tpu.memory_space<vmem>>
      %dma_start3A_350 = arith.constant 0 : i32
      %dma_start3A_351 = arith.constant 0 : i32
      %dma_start3A_352 = tpu.memref_slice %arg3[%dma_start3A_350, %dma_start3A_351] : memref<122880x256xf32, #tpu.memory_space<hbm>> -> memref<122880x256xf32, #tpu.memory_space<hbm>>
      tpu.enqueue_indirect_dma source(%dma_start3A_352 : memref<122880x256xf32, #tpu.memory_space<hbm>>) target(%dma_start3A_347 : memref<104x256xf32, #tpu.memory_space<vmem>>) offsets(%dma_start3A_349 : memref<104xi32, #tpu.memory_space<vmem>>) semaphore(%arg8 : memref<!tpu.dma_semaphore, #tpu.memory_space<semaphore_mem>>)
      %dma_wait3A_353 = arith.constant 0 : i32
      %dma_wait3A_354 = arith.constant 0 : i32
      %dma_wait3A_355 = tpu.memref_slice %arg7[%dma_wait3A_353, %dma_wait3A_354] : memref<104x256xf32, #tpu.memory_space<vmem>> -> memref<104x256xf32, #tpu.memory_space<vmem>>
      %dma_wait3A_356 = arith.constant 312 : i32
      %dma_wait3A_357 = tpu.memref_slice %arg6[%dma_wait3A_356] : memref<416xi32, #tpu.memory_space<vmem>> -> memref<104xi32, #tpu.memory_space<vmem>>
      %dma_wait3A_358 = arith.constant 0 : i32
      %dma_wait3A_359 = arith.constant 0 : i32
      %dma_wait3A_360 = tpu.memref_slice %arg3[%dma_wait3A_358, %dma_wait3A_359] : memref<122880x256xf32, #tpu.memory_space<hbm>> -> memref<122880x256xf32, #tpu.memory_space<hbm>>
      tpu.wait_indirect_dma semaphore(%arg8 : memref<!tpu.dma_semaphore, #tpu.memory_space<semaphore_mem>>) src(%dma_wait3A_360 : memref<122880x256xf32, #tpu.memory_space<hbm>>) dst(%dma_wait3A_355 : memref<104x256xf32, #tpu.memory_space<vmem>>)
      %mul3A_361 = arith.constant 416 : i32
      %mul3A_362 = arith.muli %add3A, %mul3A_361 : i32
      %add3A_363 = arith.constant 312 : i32
      %add3A_364 = arith.addi %mul3A_362, %add3A_363 : i32
      "tpu.region"() ({
        %run_scoped3A = tpu.sem_alloc : memref<!tpu.dma_semaphore, #tpu.memory_space<semaphore_mem>>
        %dma_start3A_365 = arith.constant 0 : i32
        %dma_start3A_366 = arith.constant 0 : i32
        %dma_start3A_367 = tpu.memref_slice %arg7[%dma_start3A_365, %dma_start3A_366] : memref<104x256xf32, #tpu.memory_space<vmem>> -> memref<104x256xf32, #tpu.memory_space<vmem>>
        %dma_start3A_368 = arith.constant 0 : i32
        %dma_start3A_369 = tpu.memref_slice %arg4[%add3A_364, %dma_start3A_368] : memref<1664x256xf32, #tpu.memory_space<hbm>> -> memref<104x256xf32, #tpu.memory_space<hbm>>
        %dma_start3A_370 = arith.constant 0 : i32
        %dma_start3A_371 = tpu.memref_slice %arg4[%add3A_364, %dma_start3A_370] : memref<1664x256xf32, #tpu.memory_space<hbm>> -> memref<104x256xf32, #tpu.memory_space<hbm>>
        %dma_start3A_372 = arith.constant 0 : i32
        %dma_start3A_373 = arith.constant 0 : i32
        %dma_start3A_374 = tpu.memref_slice %arg7[%dma_start3A_372, %dma_start3A_373] : memref<104x256xf32, #tpu.memory_space<vmem>> -> memref<104x256xf32, #tpu.memory_space<vmem>>
        tpu.enqueue_dma source(%dma_start3A_374 : memref<104x256xf32, #tpu.memory_space<vmem>>) target(%dma_start3A_371 : memref<104x256xf32, #tpu.memory_space<hbm>>) target_semaphore(%run_scoped3A : memref<!tpu.dma_semaphore, #tpu.memory_space<semaphore_mem>>)
        %dma_wait3A_375 = arith.constant 0 : i32
        %dma_wait3A_376 = arith.constant 0 : i32
        %dma_wait3A_377 = tpu.memref_slice %arg7[%dma_wait3A_375, %dma_wait3A_376] : memref<104x256xf32, #tpu.memory_space<vmem>> -> memref<104x256xf32, #tpu.memory_space<vmem>>
        %dma_wait3A_378 = arith.constant 0 : i32
        %dma_wait3A_379 = tpu.memref_slice %arg4[%add3A_364, %dma_wait3A_378] : memref<1664x256xf32, #tpu.memory_space<hbm>> -> memref<104x256xf32, #tpu.memory_space<hbm>>
        %dma_wait3A_380 = arith.constant 0 : i32
        %dma_wait3A_381 = tpu.memref_slice %arg4[%add3A_364, %dma_wait3A_380] : memref<1664x256xf32, #tpu.memory_space<hbm>> -> memref<104x256xf32, #tpu.memory_space<hbm>>
        %dma_wait3A_382 = arith.constant 0 : i32
        %dma_wait3A_383 = arith.constant 0 : i32
        %dma_wait3A_384 = tpu.memref_slice %arg7[%dma_wait3A_382, %dma_wait3A_383] : memref<104x256xf32, #tpu.memory_space<vmem>> -> memref<104x256xf32, #tpu.memory_space<vmem>>
        tpu.wait_dma2 semaphore(%run_scoped3A : memref<!tpu.dma_semaphore, #tpu.memory_space<semaphore_mem>>) src(%dma_wait3A_384 : memref<104x256xf32, #tpu.memory_space<vmem>>) dst(%dma_wait3A_381 : memref<104x256xf32, #tpu.memory_space<hbm>>)
        tpu.yield
      }) : () -> ()
    } else {
    }
    return
  }
}

module attributes {stable_mosaic.version = 14 : i64} {
  func.func @_score_body(%arg0: i32, %arg1: i32, %arg2: memref<1x256x15x256xf32, #tpu.memory_space<vmem>>, %arg3: memref<1x1x1xi32, #tpu.memory_space<vmem>>, %arg4: memref<1x32x1xi32, #tpu.memory_space<vmem>>, %arg5: memref<1x32x1xi32, #tpu.memory_space<vmem>>, %arg6: memref<256x128xf32, #tpu.memory_space<vmem>>, %arg7: memref<1x128xf32, #tpu.memory_space<vmem>>, %arg8: memref<128x128xf32, #tpu.memory_space<vmem>>, %arg9: memref<1x128xf32, #tpu.memory_space<vmem>>, %arg10: memref<1x128xf32, #tpu.memory_space<vmem>>, %arg11: memref<1x1xf32, #tpu.memory_space<vmem>>, %arg12: memref<8x3840xf32, #tpu.memory_space<vmem>>, %arg13: memref<1x1xf32, #tpu.memory_space<vmem>>) attributes {dimension_semantics = [#tpu.dimension_semantics<arbitrary>, #tpu.dimension_semantics<arbitrary>], iteration_bounds = array<i64: 4, 8>, scalar_prefetch = 0 : i64, scratch_operands = 0 : i64, tpu.core_type = #tpu.core_type<tc>, window_params = [{transform_indices = @transform_0, window_bounds = array<i64: 1, 256, 15, 256>}, {transform_indices = @transform_1, window_bounds = array<i64: 1, 1, 1>}, {transform_indices = @transform_2, window_bounds = array<i64: 1, 32, 1>}, {transform_indices = @transform_3, window_bounds = array<i64: 1, 32, 1>}, {pipeline_mode = #tpu.pipeline_mode<synchronous>, transform_indices = @transform_4, window_bounds = array<i64: 256, 128>}, {pipeline_mode = #tpu.pipeline_mode<synchronous>, transform_indices = @transform_5, window_bounds = array<i64: 1, 128>}, {pipeline_mode = #tpu.pipeline_mode<synchronous>, transform_indices = @transform_6, window_bounds = array<i64: 128, 128>}, {pipeline_mode = #tpu.pipeline_mode<synchronous>, transform_indices = @transform_7, window_bounds = array<i64: 1, 128>}, {pipeline_mode = #tpu.pipeline_mode<synchronous>, transform_indices = @transform_8, window_bounds = array<i64: 1, 128>}, {pipeline_mode = #tpu.pipeline_mode<synchronous>, transform_indices = @transform_9, window_bounds = array<i64: 1, 1>}, {transform_indices = @transform_10, window_bounds = array<i64: 8, 3840>}, {pipeline_mode = #tpu.pipeline_mode<synchronous>, transform_indices = @transform_11, window_bounds = array<i64: 1, 1>}]} {
    %get3A = arith.constant 0 : index
    %get3A_0 = arith.constant 0 : index
    %get3A_1 = arith.constant 0 : index
    %get3A_2 = arith.constant 0 : index
    %get3A_3 = vector.load %arg2[%get3A, %get3A_0, %get3A_1, %get3A_2] : memref<1x256x15x256xf32, #tpu.memory_space<vmem>>, vector<1x256x15x256xf32>
    %get3A_4 = vector.shape_cast %get3A_3 : vector<1x256x15x256xf32> to vector<256x15x256xf32>
    %reshape3A = vector.shape_cast %get3A_4 : vector<256x15x256xf32> to vector<3840x256xf32>
    %get3A_5 = arith.constant 0 : index
    %get3A_6 = arith.constant 0 : index
    %get3A_7 = vector.load %arg6[%get3A_5, %get3A_6] : memref<256x128xf32, #tpu.memory_space<vmem>>, vector<256x128xf32>
    %dot_general3A = arith.constant dense<0.000000e+00> : vector<3840x128xf32>
    %dot_general3A_8 = tpu.matmul %reshape3A, %get3A_7, %dot_general3A {dimension_numbers = #tpu.dot_dimension_numbers<[1], [0], [0], [1], [0, 0, 1, 1], [], []>, transpose_lhs_hint = false} : vector<3840x256xf32>, vector<256x128xf32>, vector<3840x128xf32> -> vector<3840x128xf32>
    %get3A_9 = arith.constant 0 : index
    %get3A_10 = arith.constant 0 : index
    %get3A_11 = vector.load %arg7[%get3A_9, %get3A_10] : memref<1x128xf32, #tpu.memory_space<vmem>>, vector<1x128xf32>
    %add3A = vector.broadcast %get3A_11 : vector<1x128xf32> to vector<3840x128xf32>
    %add3A_12 = arith.addf %dot_general3A_8, %add3A : vector<3840x128xf32>
    %max3A = arith.constant 0.000000e+00 : f32
    %max3A_13 = vector.broadcast %max3A : f32 to vector<3840x128xf32>
    %max3A_14 = arith.maximumf %add3A_12, %max3A_13 : vector<3840x128xf32>
    %get3A_15 = arith.constant 0 : index
    %get3A_16 = arith.constant 0 : index
    %get3A_17 = vector.load %arg8[%get3A_15, %get3A_16] : memref<128x128xf32, #tpu.memory_space<vmem>>, vector<128x128xf32>
    %dot_general3A_18 = arith.constant dense<0.000000e+00> : vector<3840x128xf32>
    %dot_general3A_19 = tpu.matmul %max3A_14, %get3A_17, %dot_general3A_18 {dimension_numbers = #tpu.dot_dimension_numbers<[1], [0], [0], [1], [0, 0, 1, 1], [], []>, transpose_lhs_hint = false} : vector<3840x128xf32>, vector<128x128xf32>, vector<3840x128xf32> -> vector<3840x128xf32>
    %get3A_20 = arith.constant 0 : index
    %get3A_21 = arith.constant 0 : index
    %get3A_22 = vector.load %arg9[%get3A_20, %get3A_21] : memref<1x128xf32, #tpu.memory_space<vmem>>, vector<1x128xf32>
    %add3A_23 = vector.broadcast %get3A_22 : vector<1x128xf32> to vector<3840x128xf32>
    %add3A_24 = arith.addf %dot_general3A_19, %add3A_23 : vector<3840x128xf32>
    %max3A_25 = arith.constant 0.000000e+00 : f32
    %max3A_26 = vector.broadcast %max3A_25 : f32 to vector<3840x128xf32>
    %max3A_27 = arith.maximumf %add3A_24, %max3A_26 : vector<3840x128xf32>
    %get3A_28 = arith.constant 0 : index
    %get3A_29 = arith.constant 0 : index
    %get3A_30 = vector.load %arg10[%get3A_28, %get3A_29] : memref<1x128xf32, #tpu.memory_space<vmem>>, vector<1x128xf32>
    %dot_general3A_31 = arith.constant dense<0.000000e+00> : vector<1x3840xf32>
    %dot_general3A_32 = tpu.matmul %get3A_30, %max3A_27, %dot_general3A_31 {dimension_numbers = #tpu.dot_dimension_numbers<[1], [1], [0], [0], [0, 0, 1, 0], [], []>, transpose_lhs_hint = false} : vector<1x128xf32>, vector<3840x128xf32>, vector<1x3840xf32> -> vector<1x3840xf32>
    %get3A_33 = arith.constant 0 : index
    %get3A_34 = arith.constant 0 : index
    %get3A_35 = vector.load %arg11[%get3A_33, %get3A_34] : memref<1x1xf32, #tpu.memory_space<vmem>>, vector<1x1xf32>
    %get3A_36 = vector.extract %get3A_35[0, 0] : f32 from vector<1x1xf32>
    %add3A_37 = vector.broadcast %get3A_36 : f32 to vector<1x3840xf32>
    %add3A_38 = arith.addf %dot_general3A_32, %add3A_37 : vector<1x3840xf32>
    %iota3A = tpu.iota {dimensions = array<i32: 1>} : vector<1x3840xi32>
    %mul3A = arith.constant 69906 : i32
    %mul3A_39 = vector.broadcast %mul3A : i32 to vector<1x3840xi32>
    %mul3A_40 = arith.muli %iota3A, %mul3A_39 : vector<1x3840xi32>
    %shift_right_arithmetic3A = arith.constant 20 : i32
    %shift_right_arithmetic3A_41 = vector.broadcast %shift_right_arithmetic3A : i32 to vector<1x3840xi32>
    %shift_right_arithmetic3A_42 = arith.shrsi %mul3A_40, %shift_right_arithmetic3A_41 : vector<1x3840xi32>
    %mul3A_43 = arith.constant 256 : i32
    %mul3A_44 = arith.muli %arg1, %mul3A_43 : i32
    %add3A_45 = vector.broadcast %mul3A_44 : i32 to vector<1x3840xi32>
    %add3A_46 = arith.addi %add3A_45, %shift_right_arithmetic3A_42 : vector<1x3840xi32>
    %mul3A_47 = arith.constant 15 : i32
    %mul3A_48 = vector.broadcast %mul3A_47 : i32 to vector<1x3840xi32>
    %mul3A_49 = arith.muli %shift_right_arithmetic3A_42, %mul3A_48 : vector<1x3840xi32>
    %sub3A = arith.subi %iota3A, %mul3A_49 : vector<1x3840xi32>
    %get3A_50 = arith.constant 0 : index
    %get3A_51 = arith.constant 0 : index
    %get3A_52 = arith.constant 0 : index
    %get3A_53 = vector.load %arg3[%get3A_50, %get3A_51, %get3A_52] : memref<1x1x1xi32, #tpu.memory_space<vmem>>, vector<1x1x1xi32>
    %get3A_54 = vector.extract %get3A_53[0, 0, 0] : i32 from vector<1x1x1xi32>
    %add3A_55 = arith.addi %add3A_46, %sub3A : vector<1x3840xi32>
    %lt3A = vector.broadcast %get3A_54 : i32 to vector<1x3840xi32>
    %lt3A_56 = arith.cmpi slt, %add3A_55, %lt3A : vector<1x3840xi32>
    %jit3A = arith.constant 1.000000e+00 : f32
    %jit3A_57 = arith.constant 0.000000e+00 : f32
    %broadcast_in_dim3A = vector.broadcast %jit3A : f32 to vector<1x3840xf32>
    %broadcast_in_dim3A_58 = vector.broadcast %jit3A_57 : f32 to vector<1x3840xf32>
    %select_n3A = arith.select %lt3A_56, %broadcast_in_dim3A, %broadcast_in_dim3A_58 : vector<1x3840xi1>, vector<1x3840xf32>
    %sub3A_59 = arith.constant 1.000000e+00 : f32
    %sub3A_60 = vector.broadcast %sub3A_59 : f32 to vector<1x3840xf32>
    %sub3A_61 = arith.subf %sub3A_60, %select_n3A : vector<1x3840xf32>
    %mul3A_62 = arith.constant 1.000000e+04 : f32
    %mul3A_63 = vector.broadcast %mul3A_62 : f32 to vector<1x3840xf32>
    %mul3A_64 = arith.mulf %sub3A_61, %mul3A_63 : vector<1x3840xf32>
    %sub3A_65 = arith.subf %add3A_38, %mul3A_64 : vector<1x3840xf32>
    %mul3A_66 = arith.constant 8 : i32
    %mul3A_67 = arith.muli %arg0, %mul3A_66 : i32
    %add3A_68 = arith.addi %mul3A_67, %arg1 : i32
    %rem3A = arith.constant 8 : i32
    %rem3A_69 = arith.remsi %add3A_68, %rem3A : i32
    %swap3A = arith.index_cast %rem3A_69 : i32 to index
    %swap3A_70 = arith.constant 0 : index
    %swap3A_71 = vector.load %arg12[%swap3A, %swap3A_70] : memref<8x3840xf32, #tpu.memory_space<vmem>>, vector<1x3840xf32>
    tpu.vector_store %arg12[%swap3A, %swap3A_70], %sub3A_65 {strides = array<i32>} : memref<8x3840xf32, #tpu.memory_space<vmem>>, vector<1x3840xf32>,
    %get3A_72 = arith.constant 0 : index
    %get3A_73 = arith.constant 0 : index
    %get3A_74 = arith.constant 0 : index
    %get3A_75 = vector.load %arg4[%get3A_72, %get3A_73, %get3A_74] : memref<1x32x1xi32, #tpu.memory_space<vmem>>, vector<1x32x1xi32>
    %get3A_76 = vector.shape_cast %get3A_75 : vector<1x32x1xi32> to vector<32x1xi32>
    %get3A_77 = arith.constant 0 : index
    %get3A_78 = arith.constant 0 : index
    %get3A_79 = arith.constant 0 : index
    %get3A_80 = vector.load %arg5[%get3A_77, %get3A_78, %get3A_79] : memref<1x32x1xi32, #tpu.memory_space<vmem>>, vector<1x32x1xi32>
    %get3A_81 = vector.shape_cast %get3A_80 : vector<1x32x1xi32> to vector<32x1xi32>
    %ge3A = arith.constant 0 : i32
    %ge3A_82 = vector.broadcast %ge3A : i32 to vector<32x1xi32>
    %ge3A_83 = arith.cmpi sge, %get3A_81, %ge3A_82 : vector<32x1xi32>
    %lt3A_84 = arith.constant 15 : i32
    %lt3A_85 = vector.broadcast %lt3A_84 : i32 to vector<32x1xi32>
    %lt3A_86 = arith.cmpi slt, %get3A_81, %lt3A_85 : vector<32x1xi32>
    %and3A = arith.andi %ge3A_83, %lt3A_86 : vector<32x1xi1>
    %ge3A_87 = arith.constant 0 : i32
    %ge3A_88 = vector.broadcast %ge3A_87 : i32 to vector<32x1xi32>
    %ge3A_89 = arith.cmpi sge, %get3A_76, %ge3A_88 : vector<32x1xi32>
    %and3A_90 = arith.andi %and3A, %ge3A_89 : vector<32x1xi1>
    %lt3A_91 = arith.constant 2048 : i32
    %lt3A_92 = vector.broadcast %lt3A_91 : i32 to vector<32x1xi32>
    %lt3A_93 = arith.cmpi slt, %get3A_76, %lt3A_92 : vector<32x1xi32>
    %and3A_94 = arith.andi %and3A_90, %lt3A_93 : vector<32x1xi1>
    %eq3A = vector.broadcast %add3A_46 : vector<1x3840xi32> to vector<32x3840xi32>
    %eq3A_95 = vector.broadcast %get3A_76 : vector<32x1xi32> to vector<32x3840xi32>
    %eq3A_96 = arith.cmpi eq, %eq3A, %eq3A_95 : vector<32x3840xi32>
    %eq3A_97 = vector.broadcast %sub3A : vector<1x3840xi32> to vector<32x3840xi32>
    %eq3A_98 = vector.broadcast %get3A_81 : vector<32x1xi32> to vector<32x3840xi32>
    %eq3A_99 = arith.cmpi eq, %eq3A_97, %eq3A_98 : vector<32x3840xi32>
    %and3A_100 = arith.andi %eq3A_96, %eq3A_99 : vector<32x3840xi1>
    %and3A_101 = vector.broadcast %and3A_94 : vector<32x1xi1> to vector<32x3840xi1>
    %and3A_102 = arith.andi %and3A_100, %and3A_101 : vector<32x3840xi1>
    %reduce_or3A = arith.constant 1.000000e+00 : f32
    %reduce_or3A_103 = arith.constant 0.000000e+00 : f32
    %reduce_or3A_104 = vector.broadcast %reduce_or3A : f32 to vector<32x3840xf32>
    %reduce_or3A_105 = vector.broadcast %reduce_or3A_103 : f32 to vector<32x3840xf32>
    %reduce_or3A_106 = arith.select %and3A_102, %reduce_or3A_104, %reduce_or3A_105 : vector<32x3840xi1>, vector<32x3840xf32>
    %reduce_or3A_107 = arith.constant dense<0xFF800000> : vector<3840xf32>
    %reduce_or3A_108 = vector.multi_reduction <maximumf>, %reduce_or3A_106, %reduce_or3A_107 [0] : vector<32x3840xf32> to vector<3840xf32>
    %reduce_or3A_109 = arith.constant 0.000000e+00 : f32
    %reduce_or3A_110 = vector.broadcast %reduce_or3A_109 : f32 to vector<3840xf32>
    %reduce_or3A_111 = arith.cmpf ogt, %reduce_or3A_108, %reduce_or3A_110 : vector<3840xf32>
    %broadcast_in_dim3A_112 = vector.shape_cast %reduce_or3A_111 : vector<3840xi1> to vector<1x3840xi1>
    %convert_element_type3A = arith.extui %broadcast_in_dim3A_112 : vector<1x3840xi1> to vector<1x3840xi32>
    %convert_element_type3A_113 = arith.sitofp %convert_element_type3A : vector<1x3840xi32> to vector<1x3840xf32>
    %max3A_114 = arith.constant 0.000000e+00 : f32
    %max3A_115 = vector.broadcast %max3A_114 : f32 to vector<1x3840xf32>
    %max3A_116 = arith.maximumf %sub3A_65, %max3A_115 : vector<1x3840xf32>
    %mul3A_117 = arith.mulf %sub3A_65, %convert_element_type3A_113 : vector<1x3840xf32>
    %sub3A_118 = arith.subf %max3A_116, %mul3A_117 : vector<1x3840xf32>
    %abs3A = math.absf %sub3A_65 : vector<1x3840xf32>
    %neg3A = arith.constant 0.000000e+00 : f32
    %neg3A_119 = vector.broadcast %neg3A : f32 to vector<1x3840xf32>
    %neg3A_120 = arith.subf %neg3A_119, %abs3A : vector<1x3840xf32>
    %exp3A = math.exp %neg3A_120 : vector<1x3840xf32>
    %add3A_121 = arith.constant 1.000000e+00 : f32
    %add3A_122 = vector.broadcast %add3A_121 : f32 to vector<1x3840xf32>
    %add3A_123 = arith.addf %add3A_122, %exp3A : vector<1x3840xf32>
    %log3A = math.log %add3A_123 : vector<1x3840xf32>
    %add3A_124 = arith.addf %sub3A_118, %log3A : vector<1x3840xf32>
    %mul3A_125 = arith.mulf %add3A_124, %select_n3A : vector<1x3840xf32>
    %reduce_sum3A = vector.shape_cast %mul3A_125 : vector<1x3840xf32> to vector<1x1x3840xf32>
    %reduce_sum3A_126 = arith.constant dense<0.000000e+00> : vector<1xf32>
    %reduce_sum3A_127 = vector.multi_reduction <add>, %reduce_sum3A, %reduce_sum3A_126 [1, 2] : vector<1x1x3840xf32> to vector<1xf32>
    %reduce_sum3A_128 = vector.shape_cast %reduce_sum3A_127 : vector<1xf32> to vector<1x1x1xf32>
    %reduce_sum3A_129 = vector.extract %reduce_sum3A_128[0, 0, 0] : f32 from vector<1x1x1xf32>
    %eq3A_130 = arith.constant 0 : i32
    %eq3A_131 = arith.cmpi eq, %arg0, %eq3A_130 : i32
    %eq3A_132 = arith.constant 0 : i32
    %eq3A_133 = arith.cmpi eq, %arg1, %eq3A_132 : i32
    %and3A_134 = arith.andi %eq3A_131, %eq3A_133 : i1
    %convert_element_type3A_135 = arith.extui %and3A_134 : i1 to i32
    %cond3A = arith.constant 0 : i32
    %cond3A_136 = arith.cmpi ne, %convert_element_type3A_135, %cond3A : i32
    scf.if %cond3A_136 {
      %broadcast_in_dim3A_145 = arith.constant 0.000000e+00 : f32
      %broadcast_in_dim3A_146 = vector.broadcast %broadcast_in_dim3A_145 : f32 to vector<1x1xf32>
      %swap3A_147 = arith.constant 0 : index
      %swap3A_148 = arith.constant 0 : index
      %swap3A_149 = vector.load %arg13[%swap3A_147, %swap3A_148] : memref<1x1xf32, #tpu.memory_space<vmem>>, vector<1x1xf32>
      tpu.vector_store %arg13[%swap3A_147, %swap3A_148], %broadcast_in_dim3A_146 {strides = array<i32>} : memref<1x1xf32, #tpu.memory_space<vmem>>, vector<1x1xf32>,
    } else {
    }
    %get3A_137 = arith.constant 0 : index
    %get3A_138 = arith.constant 0 : index
    %get3A_139 = vector.load %arg13[%get3A_137, %get3A_138] : memref<1x1xf32, #tpu.memory_space<vmem>>, vector<1x1xf32>
    %add3A_140 = vector.broadcast %reduce_sum3A_129 : f32 to vector<1x1xf32>
    %add3A_141 = arith.addf %get3A_139, %add3A_140 : vector<1x1xf32>
    %swap3A_142 = arith.constant 0 : index
    %swap3A_143 = arith.constant 0 : index
    %swap3A_144 = vector.load %arg13[%swap3A_142, %swap3A_143] : memref<1x1xf32, #tpu.memory_space<vmem>>, vector<1x1xf32>
    tpu.vector_store %arg13[%swap3A_142, %swap3A_143], %add3A_141 {strides = array<i32>} : memref<1x1xf32, #tpu.memory_space<vmem>>, vector<1x1xf32>,
    return
  }
  func.func @transform_0(%arg0: i32, %arg1: i32) -> (i32, i32, i32, i32) {
    %c0_i32 = arith.constant 0 : i32
    %c0_i32_0 = arith.constant 0 : i32
    %c0_i32_1 = arith.constant 0 : i32
    return %arg0, %arg1, %c0_i32, %c0_i32_0 : i32, i32, i32, i32
  }
  func.func @transform_1(%arg0: i32, %arg1: i32) -> (i32, i32, i32) {
    %c0_i32 = arith.constant 0 : i32
    %c0_i32_0 = arith.constant 0 : i32
    %c0_i32_1 = arith.constant 0 : i32
    return %arg0, %c0_i32, %c0_i32_0 : i32, i32, i32
  }
  func.func @transform_2(%arg0: i32, %arg1: i32) -> (i32, i32, i32) {
    %c0_i32 = arith.constant 0 : i32
    %c0_i32_0 = arith.constant 0 : i32
    %c0_i32_1 = arith.constant 0 : i32
    return %arg0, %c0_i32, %c0_i32_0 : i32, i32, i32
  }
  func.func @transform_3(%arg0: i32, %arg1: i32) -> (i32, i32, i32) {
    %c0_i32 = arith.constant 0 : i32
    %c0_i32_0 = arith.constant 0 : i32
    %c0_i32_1 = arith.constant 0 : i32
    return %arg0, %c0_i32, %c0_i32_0 : i32, i32, i32
  }
  func.func @transform_4(%arg0: i32, %arg1: i32) -> (i32, i32) {
    %c0_i32 = arith.constant 0 : i32
    %c0_i32_0 = arith.constant 0 : i32
    %c0_i32_1 = arith.constant 0 : i32
    return %c0_i32, %c0_i32_0 : i32, i32
  }
  func.func @transform_5(%arg0: i32, %arg1: i32) -> (i32, i32) {
    %c0_i32 = arith.constant 0 : i32
    %c0_i32_0 = arith.constant 0 : i32
    %c0_i32_1 = arith.constant 0 : i32
    return %c0_i32, %c0_i32_0 : i32, i32
  }
  func.func @transform_6(%arg0: i32, %arg1: i32) -> (i32, i32) {
    %c0_i32 = arith.constant 0 : i32
    %c0_i32_0 = arith.constant 0 : i32
    %c0_i32_1 = arith.constant 0 : i32
    return %c0_i32, %c0_i32_0 : i32, i32
  }
  func.func @transform_7(%arg0: i32, %arg1: i32) -> (i32, i32) {
    %c0_i32 = arith.constant 0 : i32
    %c0_i32_0 = arith.constant 0 : i32
    %c0_i32_1 = arith.constant 0 : i32
    return %c0_i32, %c0_i32_0 : i32, i32
  }
  func.func @transform_8(%arg0: i32, %arg1: i32) -> (i32, i32) {
    %c0_i32 = arith.constant 0 : i32
    %c0_i32_0 = arith.constant 0 : i32
    %c0_i32_1 = arith.constant 0 : i32
    return %c0_i32, %c0_i32_0 : i32, i32
  }
  func.func @transform_9(%arg0: i32, %arg1: i32) -> (i32, i32) {
    %c0_i32 = arith.constant 0 : i32
    %c0_i32_0 = arith.constant 0 : i32
    %c0_i32_1 = arith.constant 0 : i32
    return %c0_i32, %c0_i32_0 : i32, i32
  }
  func.func @transform_10(%arg0: i32, %arg1: i32) -> (i32, i32) {
    %mul3A = arith.constant 8 : i32
    %mul3A_0 = arith.muli %arg0, %mul3A : i32
    %add3A = arith.addi %mul3A_0, %arg1 : i32
    %jit3A = arith.constant 8 : i32
    %div3A = arith.divsi %add3A, %jit3A : i32
    %sign3A = arith.constant 0 : i32
    %sign3A_1 = arith.cmpi sgt, %add3A, %sign3A : i32
    %sign3A_2 = arith.extui %sign3A_1 : i1 to i32
    %sign3A_3 = arith.constant 0 : i32
    %sign3A_4 = arith.cmpi slt, %add3A, %sign3A_3 : i32
    %sign3A_5 = arith.extui %sign3A_4 : i1 to i32
    %sign3A_6 = arith.subi %sign3A_2, %sign3A_5 : i32
    %sign3A_7 = arith.constant 0 : i32
    %sign3A_8 = arith.cmpi sgt, %jit3A, %sign3A_7 : i32
    %sign3A_9 = arith.extui %sign3A_8 : i1 to i32
    %sign3A_10 = arith.constant 0 : i32
    %sign3A_11 = arith.cmpi slt, %jit3A, %sign3A_10 : i32
    %sign3A_12 = arith.extui %sign3A_11 : i1 to i32
    %sign3A_13 = arith.subi %sign3A_9, %sign3A_12 : i32
    %ne3A = arith.cmpi ne, %sign3A_6, %sign3A_13 : i32
    %rem3A = arith.remsi %add3A, %jit3A : i32
    %ne3A_14 = arith.constant 0 : i32
    %ne3A_15 = arith.cmpi ne, %rem3A, %ne3A_14 : i32
    %and3A = arith.andi %ne3A, %ne3A_15 : i1
    %sub3A = arith.constant 1 : i32
    %sub3A_16 = arith.subi %div3A, %sub3A : i32
    %select_n3A = arith.select %and3A, %sub3A_16, %div3A : i32
    %c0_i32 = arith.constant 0 : i32
    %c0_i32_17 = arith.constant 0 : i32
    return %select_n3A, %c0_i32 : i32, i32
  }
  func.func @transform_11(%arg0: i32, %arg1: i32) -> (i32, i32) {
    %c0_i32 = arith.constant 0 : i32
    %c0_i32_0 = arith.constant 0 : i32
    %c0_i32_1 = arith.constant 0 : i32
    return %c0_i32, %c0_i32_0 : i32, i32
  }
}

module attributes {stable_mosaic.version = 14 : i64} {
  func.func @_topk_body(%arg0: i32, %arg1: memref<1x8x3840xf32, #tpu.memory_space<vmem>>, %arg2: memref<1x1x1xi32, #tpu.memory_space<vmem>>, %arg3: memref<1x1x416xi32, #tpu.memory_space<vmem>>, %arg4: memref<1x1x416xf32, #tpu.memory_space<vmem>>, %arg5: memref<1x1x416xi32, #tpu.memory_space<vmem>>, %arg6: memref<1x1x416xi32, #tpu.memory_space<vmem>>, %arg7: memref<1x410x410xf32, #tpu.memory_space<vmem>>, %arg8: memref<1x410x410xf32, #tpu.memory_space<vmem>>) attributes {dimension_semantics = [#tpu.dimension_semantics<arbitrary>], iteration_bounds = array<i64: 4>, scalar_prefetch = 0 : i64, scratch_operands = 0 : i64, tpu.core_type = #tpu.core_type<tc>, window_params = [{transform_indices = @transform_0, window_bounds = array<i64: 1, 8, 3840>}, {transform_indices = @transform_1, window_bounds = array<i64: 1, 1, 1>}, {transform_indices = @transform_2, window_bounds = array<i64: 1, 1, 416>}, {transform_indices = @transform_3, window_bounds = array<i64: 1, 1, 416>}, {transform_indices = @transform_4, window_bounds = array<i64: 1, 1, 416>}, {transform_indices = @transform_5, window_bounds = array<i64: 1, 1, 416>}, {transform_indices = @transform_6, window_bounds = array<i64: 1, 410, 410>}, {transform_indices = @transform_7, window_bounds = array<i64: 1, 410, 410>}]} {
    %get3A = arith.constant 0 : index
    %get3A_0 = arith.constant 0 : index
    %get3A_1 = arith.constant 0 : index
    %get3A_2 = vector.load %arg1[%get3A, %get3A_0, %get3A_1] : memref<1x8x3840xf32, #tpu.memory_space<vmem>>, vector<1x8x3840xf32>
    %get3A_3 = vector.shape_cast %get3A_2 : vector<1x8x3840xf32> to vector<8x3840xf32>
    %bitcast_convert_type3A = tpu.bitcast %get3A_3 : vector<8x3840xf32> -> vector<8x3840xi32>
    %ge3A = arith.constant 0 : i32
    %ge3A_4 = vector.broadcast %ge3A : i32 to vector<8x3840xi32>
    %ge3A_5 = arith.cmpi sge, %bitcast_convert_type3A, %ge3A_4 : vector<8x3840xi32>
    %xor3A = arith.constant 2147483647 : i32
    %xor3A_6 = vector.broadcast %xor3A : i32 to vector<8x3840xi32>
    %xor3A_7 = arith.xori %bitcast_convert_type3A, %xor3A_6 : vector<8x3840xi32>
    %select_n3A = arith.select %ge3A_5, %bitcast_convert_type3A, %xor3A_7 : vector<8x3840xi1>, vector<8x3840xi32>
    %ge3A_8 = arith.constant 0 : i32
    %ge3A_9 = vector.broadcast %ge3A_8 : i32 to vector<8x3840xi32>
    %ge3A_10 = arith.cmpi sge, %select_n3A, %ge3A_9 : vector<8x3840xi32>
    %jit3A = arith.constant 1 : i32
    %jit3A_11 = arith.constant 0 : i32
    %broadcast_in_dim3A = vector.broadcast %jit3A : i32 to vector<8x3840xi32>
    %broadcast_in_dim3A_12 = vector.broadcast %jit3A_11 : i32 to vector<8x3840xi32>
    %select_n3A_13 = arith.select %ge3A_10, %broadcast_in_dim3A, %broadcast_in_dim3A_12 : vector<8x3840xi1>, vector<8x3840xi32>
    %reduce_sum3A = vector.shape_cast %select_n3A_13 : vector<8x3840xi32> to vector<1x8x3840xi32>
    %reduce_sum3A_14 = arith.constant dense<0> : vector<1xi32>
    %reduce_sum3A_15 = vector.multi_reduction <add>, %reduce_sum3A, %reduce_sum3A_14 [1, 2] : vector<1x8x3840xi32> to vector<1xi32>
    %reduce_sum3A_16 = vector.shape_cast %reduce_sum3A_15 : vector<1xi32> to vector<1x1x1xi32>
    %reduce_sum3A_17 = vector.extract %reduce_sum3A_16[0, 0, 0] : i32 from vector<1x1x1xi32>
    %ge3A_18 = arith.constant 410 : i32
    %ge3A_19 = arith.cmpi sge, %reduce_sum3A_17, %ge3A_18 : i32
    %jit3A_20 = arith.constant 0 : i32
    %jit3A_21 = arith.constant -2147483648 : i32
    %select_n3A_22 = arith.select %ge3A_19, %jit3A_20, %jit3A_21 : i32
    %scan3A = arith.constant 0 : i32
    %scan3A_23 = arith.constant 31 : i32
    %scan3A_24 = arith.addi %scan3A, %scan3A_23 : i32
    %scan3A_25 = arith.constant 1 : i32
    %scan3A_26 = scf.for %scan3A_441 = %scan3A to %scan3A_24 step %scan3A_25 iter_args(%scan3A_442 = %select_n3A_22) -> (i32)  : i32 {
      %sub3A_443 = arith.constant 30 : i32
      %sub3A_444 = arith.subi %sub3A_443, %scan3A_441 : i32
      %shift_left3A = arith.constant 1 : i32
      %shift_left3A_445 = arith.shli %shift_left3A, %sub3A_444 : i32
      %add3A_446 = arith.addi %scan3A_442, %shift_left3A_445 : i32
      %ge3A_447 = vector.broadcast %add3A_446 : i32 to vector<8x3840xi32>
      %ge3A_448 = arith.cmpi sge, %select_n3A, %ge3A_447 : vector<8x3840xi32>
      %jit3A_449 = arith.constant 1 : i32
      %jit3A_450 = arith.constant 0 : i32
      %broadcast_in_dim3A_451 = vector.broadcast %jit3A_449 : i32 to vector<8x3840xi32>
      %broadcast_in_dim3A_452 = vector.broadcast %jit3A_450 : i32 to vector<8x3840xi32>
      %select_n3A_453 = arith.select %ge3A_448, %broadcast_in_dim3A_451, %broadcast_in_dim3A_452 : vector<8x3840xi1>, vector<8x3840xi32>
      %reduce_sum3A_454 = vector.shape_cast %select_n3A_453 : vector<8x3840xi32> to vector<1x8x3840xi32>
      %reduce_sum3A_455 = arith.constant dense<0> : vector<1xi32>
      %reduce_sum3A_456 = vector.multi_reduction <add>, %reduce_sum3A_454, %reduce_sum3A_455 [1, 2] : vector<1x8x3840xi32> to vector<1xi32>
      %reduce_sum3A_457 = vector.shape_cast %reduce_sum3A_456 : vector<1xi32> to vector<1x1x1xi32>
      %reduce_sum3A_458 = vector.extract %reduce_sum3A_457[0, 0, 0] : i32 from vector<1x1x1xi32>
      %ge3A_459 = arith.constant 410 : i32
      %ge3A_460 = arith.cmpi sge, %reduce_sum3A_458, %ge3A_459 : i32
      %select_n3A_461 = arith.select %ge3A_460, %add3A_446, %scan3A_442 : i32
      scf.yield %select_n3A_461 : i32
    }
    %scan3A_27 = arith.constant 31 : i32
    %gt3A = vector.broadcast %scan3A_26 : i32 to vector<8x3840xi32>
    %gt3A_28 = arith.cmpi sgt, %select_n3A, %gt3A : vector<8x3840xi32>
    %jit3A_29 = arith.constant 1 : i32
    %jit3A_30 = arith.constant 0 : i32
    %broadcast_in_dim3A_31 = vector.broadcast %jit3A_29 : i32 to vector<8x3840xi32>
    %broadcast_in_dim3A_32 = vector.broadcast %jit3A_30 : i32 to vector<8x3840xi32>
    %select_n3A_33 = arith.select %gt3A_28, %broadcast_in_dim3A_31, %broadcast_in_dim3A_32 : vector<8x3840xi1>, vector<8x3840xi32>
    %reduce_sum3A_34 = vector.shape_cast %select_n3A_33 : vector<8x3840xi32> to vector<1x8x3840xi32>
    %reduce_sum3A_35 = arith.constant dense<0> : vector<1xi32>
    %reduce_sum3A_36 = vector.multi_reduction <add>, %reduce_sum3A_34, %reduce_sum3A_35 [1, 2] : vector<1x8x3840xi32> to vector<1xi32>
    %reduce_sum3A_37 = vector.shape_cast %reduce_sum3A_36 : vector<1xi32> to vector<1x1x1xi32>
    %reduce_sum3A_38 = vector.extract %reduce_sum3A_37[0, 0, 0] : i32 from vector<1x1x1xi32>
    %sub3A = arith.constant 410 : i32
    %sub3A_39 = arith.subi %sub3A, %reduce_sum3A_38 : i32
    %eq3A = vector.broadcast %scan3A_26 : i32 to vector<8x3840xi32>
    %eq3A_40 = arith.cmpi eq, %select_n3A, %eq3A : vector<8x3840xi32>
    %iota3A = tpu.iota {dimensions = array<i32: 0>} : vector<8x3840xi32>
    %mul3A = arith.constant 3840 : i32
    %mul3A_41 = vector.broadcast %mul3A : i32 to vector<8x3840xi32>
    %mul3A_42 = arith.muli %iota3A, %mul3A_41 : vector<8x3840xi32>
    %iota3A_43 = tpu.iota {dimensions = array<i32: 1>} : vector<8x3840xi32>
    %add3A = arith.addi %mul3A_42, %iota3A_43 : vector<8x3840xi32>
    %scan3A_44 = arith.constant 0 : i32
    %scan3A_45 = arith.constant 0 : i32
    %scan3A_46 = arith.constant 15 : i32
    %scan3A_47 = arith.addi %scan3A_45, %scan3A_46 : i32
    %scan3A_48 = arith.constant 1 : i32
    %scan3A_49 = scf.for %scan3A_441 = %scan3A_45 to %scan3A_47 step %scan3A_48 iter_args(%scan3A_442 = %scan3A_44) -> (i32)  : i32 {
      %sub3A_443 = arith.constant 14 : i32
      %sub3A_444 = arith.subi %sub3A_443, %scan3A_441 : i32
      %shift_left3A = arith.constant 1 : i32
      %shift_left3A_445 = arith.shli %shift_left3A, %sub3A_444 : i32
      %add3A_446 = arith.addi %scan3A_442, %shift_left3A_445 : i32
      %lt3A_447 = vector.broadcast %add3A_446 : i32 to vector<8x3840xi32>
      %lt3A_448 = arith.cmpi slt, %add3A, %lt3A_447 : vector<8x3840xi32>
      %and3A_449 = arith.andi %eq3A_40, %lt3A_448 : vector<8x3840xi1>
      %jit3A_450 = arith.constant 1 : i32
      %jit3A_451 = arith.constant 0 : i32
      %broadcast_in_dim3A_452 = vector.broadcast %jit3A_450 : i32 to vector<8x3840xi32>
      %broadcast_in_dim3A_453 = vector.broadcast %jit3A_451 : i32 to vector<8x3840xi32>
      %select_n3A_454 = arith.select %and3A_449, %broadcast_in_dim3A_452, %broadcast_in_dim3A_453 : vector<8x3840xi1>, vector<8x3840xi32>
      %reduce_sum3A_455 = vector.shape_cast %select_n3A_454 : vector<8x3840xi32> to vector<1x8x3840xi32>
      %reduce_sum3A_456 = arith.constant dense<0> : vector<1xi32>
      %reduce_sum3A_457 = vector.multi_reduction <add>, %reduce_sum3A_455, %reduce_sum3A_456 [1, 2] : vector<1x8x3840xi32> to vector<1xi32>
      %reduce_sum3A_458 = vector.shape_cast %reduce_sum3A_457 : vector<1xi32> to vector<1x1x1xi32>
      %reduce_sum3A_459 = vector.extract %reduce_sum3A_458[0, 0, 0] : i32 from vector<1x1x1xi32>
      %lt3A_460 = arith.cmpi slt, %reduce_sum3A_459, %sub3A_39 : i32
      %select_n3A_461 = arith.select %lt3A_460, %add3A_446, %scan3A_442 : i32
      scf.yield %select_n3A_461 : i32
    }
    %scan3A_50 = arith.constant 15 : i32
    %gt3A_51 = vector.broadcast %scan3A_26 : i32 to vector<8x3840xi32>
    %gt3A_52 = arith.cmpi sgt, %select_n3A, %gt3A_51 : vector<8x3840xi32>
    %le3A = vector.broadcast %scan3A_49 : i32 to vector<8x3840xi32>
    %le3A_53 = arith.cmpi sle, %add3A, %le3A : vector<8x3840xi32>
    %and3A = arith.andi %eq3A_40, %le3A_53 : vector<8x3840xi1>
    %or3A = arith.ori %gt3A_52, %and3A : vector<8x3840xi1>
    %jit3A_54 = arith.constant 1 : i32
    %jit3A_55 = arith.constant 0 : i32
    %broadcast_in_dim3A_56 = vector.broadcast %jit3A_54 : i32 to vector<8x3840xi32>
    %broadcast_in_dim3A_57 = vector.broadcast %jit3A_55 : i32 to vector<8x3840xi32>
    %select_n3A_58 = arith.select %or3A, %broadcast_in_dim3A_56, %broadcast_in_dim3A_57 : vector<8x3840xi1>, vector<8x3840xi32>
    %broadcast_in_dim3A_59 = arith.constant 0 : i32
    %broadcast_in_dim3A_60 = vector.broadcast %broadcast_in_dim3A_59 : i32 to vector<8x1xi32>
    %slice3A = vector.extract_strided_slice %select_n3A_58 {offsets = [0, 0], sizes = [8, 3839], strides = [1, 1]} : vector<8x3840xi32> to vector<8x3839xi32>
    %concatenate3A = tpu.concatenate %broadcast_in_dim3A_60, %slice3A in 1 : vector<8x1xi32>, vector<8x3839xi32> -> vector<8x3840xi32>
    %add3A_61 = arith.addi %select_n3A_58, %concatenate3A : vector<8x3840xi32>
    %broadcast_in_dim3A_62 = arith.constant 0 : i32
    %broadcast_in_dim3A_63 = vector.broadcast %broadcast_in_dim3A_62 : i32 to vector<8x2xi32>
    %slice3A_64 = vector.extract_strided_slice %add3A_61 {offsets = [0, 0], sizes = [8, 3838], strides = [1, 1]} : vector<8x3840xi32> to vector<8x3838xi32>
    %concatenate3A_65 = tpu.concatenate %broadcast_in_dim3A_63, %slice3A_64 in 1 : vector<8x2xi32>, vector<8x3838xi32> -> vector<8x3840xi32>
    %add3A_66 = arith.addi %add3A_61, %concatenate3A_65 : vector<8x3840xi32>
    %broadcast_in_dim3A_67 = arith.constant 0 : i32
    %broadcast_in_dim3A_68 = vector.broadcast %broadcast_in_dim3A_67 : i32 to vector<8x4xi32>
    %slice3A_69 = vector.extract_strided_slice %add3A_66 {offsets = [0, 0], sizes = [8, 3836], strides = [1, 1]} : vector<8x3840xi32> to vector<8x3836xi32>
    %concatenate3A_70 = tpu.concatenate %broadcast_in_dim3A_68, %slice3A_69 in 1 : vector<8x4xi32>, vector<8x3836xi32> -> vector<8x3840xi32>
    %add3A_71 = arith.addi %add3A_66, %concatenate3A_70 : vector<8x3840xi32>
    %broadcast_in_dim3A_72 = arith.constant 0 : i32
    %broadcast_in_dim3A_73 = vector.broadcast %broadcast_in_dim3A_72 : i32 to vector<8x8xi32>
    %slice3A_74 = vector.extract_strided_slice %add3A_71 {offsets = [0, 0], sizes = [8, 3832], strides = [1, 1]} : vector<8x3840xi32> to vector<8x3832xi32>
    %concatenate3A_75 = tpu.concatenate %broadcast_in_dim3A_73, %slice3A_74 in 1 : vector<8x8xi32>, vector<8x3832xi32> -> vector<8x3840xi32>
    %add3A_76 = arith.addi %add3A_71, %concatenate3A_75 : vector<8x3840xi32>
    %broadcast_in_dim3A_77 = arith.constant 0 : i32
    %broadcast_in_dim3A_78 = vector.broadcast %broadcast_in_dim3A_77 : i32 to vector<8x16xi32>
    %slice3A_79 = vector.extract_strided_slice %add3A_76 {offsets = [0, 0], sizes = [8, 3824], strides = [1, 1]} : vector<8x3840xi32> to vector<8x3824xi32>
    %concatenate3A_80 = tpu.concatenate %broadcast_in_dim3A_78, %slice3A_79 in 1 : vector<8x16xi32>, vector<8x3824xi32> -> vector<8x3840xi32>
    %add3A_81 = arith.addi %add3A_76, %concatenate3A_80 : vector<8x3840xi32>
    %broadcast_in_dim3A_82 = arith.constant 0 : i32
    %broadcast_in_dim3A_83 = vector.broadcast %broadcast_in_dim3A_82 : i32 to vector<8x32xi32>
    %slice3A_84 = vector.extract_strided_slice %add3A_81 {offsets = [0, 0], sizes = [8, 3808], strides = [1, 1]} : vector<8x3840xi32> to vector<8x3808xi32>
    %concatenate3A_85 = tpu.concatenate %broadcast_in_dim3A_83, %slice3A_84 in 1 : vector<8x32xi32>, vector<8x3808xi32> -> vector<8x3840xi32>
    %add3A_86 = arith.addi %add3A_81, %concatenate3A_85 : vector<8x3840xi32>
    %broadcast_in_dim3A_87 = arith.constant 0 : i32
    %broadcast_in_dim3A_88 = vector.broadcast %broadcast_in_dim3A_87 : i32 to vector<8x64xi32>
    %slice3A_89 = vector.extract_strided_slice %add3A_86 {offsets = [0, 0], sizes = [8, 3776], strides = [1, 1]} : vector<8x3840xi32> to vector<8x3776xi32>
    %concatenate3A_90 = tpu.concatenate %broadcast_in_dim3A_88, %slice3A_89 in 1 : vector<8x64xi32>, vector<8x3776xi32> -> vector<8x3840xi32>
    %add3A_91 = arith.addi %add3A_86, %concatenate3A_90 : vector<8x3840xi32>
    %broadcast_in_dim3A_92 = arith.constant 0 : i32
    %broadcast_in_dim3A_93 = vector.broadcast %broadcast_in_dim3A_92 : i32 to vector<8x128xi32>
    %slice3A_94 = vector.extract_strided_slice %add3A_91 {offsets = [0, 0], sizes = [8, 3712], strides = [1, 1]} : vector<8x3840xi32> to vector<8x3712xi32>
    %concatenate3A_95 = tpu.concatenate %broadcast_in_dim3A_93, %slice3A_94 in 1 : vector<8x128xi32>, vector<8x3712xi32> -> vector<8x3840xi32>
    %add3A_96 = arith.addi %add3A_91, %concatenate3A_95 : vector<8x3840xi32>
    %broadcast_in_dim3A_97 = arith.constant 0 : i32
    %broadcast_in_dim3A_98 = vector.broadcast %broadcast_in_dim3A_97 : i32 to vector<8x256xi32>
    %slice3A_99 = vector.extract_strided_slice %add3A_96 {offsets = [0, 0], sizes = [8, 3584], strides = [1, 1]} : vector<8x3840xi32> to vector<8x3584xi32>
    %concatenate3A_100 = tpu.concatenate %broadcast_in_dim3A_98, %slice3A_99 in 1 : vector<8x256xi32>, vector<8x3584xi32> -> vector<8x3840xi32>
    %add3A_101 = arith.addi %add3A_96, %concatenate3A_100 : vector<8x3840xi32>
    %broadcast_in_dim3A_102 = arith.constant 0 : i32
    %broadcast_in_dim3A_103 = vector.broadcast %broadcast_in_dim3A_102 : i32 to vector<8x512xi32>
    %slice3A_104 = vector.extract_strided_slice %add3A_101 {offsets = [0, 0], sizes = [8, 3328], strides = [1, 1]} : vector<8x3840xi32> to vector<8x3328xi32>
    %concatenate3A_105 = tpu.concatenate %broadcast_in_dim3A_103, %slice3A_104 in 1 : vector<8x512xi32>, vector<8x3328xi32> -> vector<8x3840xi32>
    %add3A_106 = arith.addi %add3A_101, %concatenate3A_105 : vector<8x3840xi32>
    %broadcast_in_dim3A_107 = arith.constant 0 : i32
    %broadcast_in_dim3A_108 = vector.broadcast %broadcast_in_dim3A_107 : i32 to vector<8x1024xi32>
    %slice3A_109 = vector.extract_strided_slice %add3A_106 {offsets = [0, 0], sizes = [8, 2816], strides = [1, 1]} : vector<8x3840xi32> to vector<8x2816xi32>
    %concatenate3A_110 = tpu.concatenate %broadcast_in_dim3A_108, %slice3A_109 in 1 : vector<8x1024xi32>, vector<8x2816xi32> -> vector<8x3840xi32>
    %add3A_111 = arith.addi %add3A_106, %concatenate3A_110 : vector<8x3840xi32>
    %broadcast_in_dim3A_112 = arith.constant 0 : i32
    %broadcast_in_dim3A_113 = vector.broadcast %broadcast_in_dim3A_112 : i32 to vector<8x2048xi32>
    %slice3A_114 = vector.extract_strided_slice %add3A_111 {offsets = [0, 0], sizes = [8, 1792], strides = [1, 1]} : vector<8x3840xi32> to vector<8x1792xi32>
    %concatenate3A_115 = tpu.concatenate %broadcast_in_dim3A_113, %slice3A_114 in 1 : vector<8x2048xi32>, vector<8x1792xi32> -> vector<8x3840xi32>
    %add3A_116 = arith.addi %add3A_111, %concatenate3A_115 : vector<8x3840xi32>
    %slice3A_117 = vector.extract_strided_slice %add3A_116 {offsets = [0, 3839], sizes = [8, 1], strides = [1, 1]} : vector<8x3840xi32> to vector<8x1xi32>
    %broadcast_in_dim3A_118 = arith.constant 0 : i32
    %broadcast_in_dim3A_119 = vector.broadcast %broadcast_in_dim3A_118 : i32 to vector<1x1xi32>
    %slice3A_120 = vector.extract_strided_slice %slice3A_117 {offsets = [0, 0], sizes = [7, 1], strides = [1, 1]} : vector<8x1xi32> to vector<7x1xi32>
    %concatenate3A_121 = tpu.concatenate %broadcast_in_dim3A_119, %slice3A_120 in 0 : vector<1x1xi32>, vector<7x1xi32> -> vector<8x1xi32>
    %add3A_122 = arith.addi %slice3A_117, %concatenate3A_121 : vector<8x1xi32>
    %broadcast_in_dim3A_123 = arith.constant 0 : i32
    %broadcast_in_dim3A_124 = vector.broadcast %broadcast_in_dim3A_123 : i32 to vector<2x1xi32>
    %slice3A_125 = vector.extract_strided_slice %add3A_122 {offsets = [0, 0], sizes = [6, 1], strides = [1, 1]} : vector<8x1xi32> to vector<6x1xi32>
    %concatenate3A_126 = tpu.concatenate %broadcast_in_dim3A_124, %slice3A_125 in 0 : vector<2x1xi32>, vector<6x1xi32> -> vector<8x1xi32>
    %add3A_127 = arith.addi %add3A_122, %concatenate3A_126 : vector<8x1xi32>
    %broadcast_in_dim3A_128 = arith.constant 0 : i32
    %broadcast_in_dim3A_129 = vector.broadcast %broadcast_in_dim3A_128 : i32 to vector<4x1xi32>
    %slice3A_130 = vector.extract_strided_slice %add3A_127 {offsets = [0, 0], sizes = [4, 1], strides = [1, 1]} : vector<8x1xi32> to vector<4x1xi32>
    %concatenate3A_131 = tpu.concatenate %broadcast_in_dim3A_129, %slice3A_130 in 0 : vector<4x1xi32>, vector<4x1xi32> -> vector<8x1xi32>
    %add3A_132 = arith.addi %add3A_127, %concatenate3A_131 : vector<8x1xi32>
    %broadcast_in_dim3A_133 = arith.constant 0 : i32
    %broadcast_in_dim3A_134 = vector.broadcast %broadcast_in_dim3A_133 : i32 to vector<1x1xi32>
    %slice3A_135 = vector.extract_strided_slice %add3A_132 {offsets = [0, 0], sizes = [7, 1], strides = [1, 1]} : vector<8x1xi32> to vector<7x1xi32>
    %concatenate3A_136 = tpu.concatenate %broadcast_in_dim3A_134, %slice3A_135 in 0 : vector<1x1xi32>, vector<7x1xi32> -> vector<8x1xi32>
    %add3A_137 = vector.broadcast %concatenate3A_136 : vector<8x1xi32> to vector<8x3840xi32>
    %add3A_138 = arith.addi %add3A_116, %add3A_137 : vector<8x3840xi32>
    %iota3A_139 = tpu.iota {dimensions = array<i32: 0>} : vector<416x1xi32>
    %add3A_140 = arith.constant 1 : i32
    %add3A_141 = vector.broadcast %add3A_140 : i32 to vector<416x1xi32>
    %add3A_142 = arith.addi %iota3A_139, %add3A_141 : vector<416x1xi32>
    %broadcast_in_dim3A_143 = arith.constant 0.000000e+00 : f32
    %broadcast_in_dim3A_144 = vector.broadcast %broadcast_in_dim3A_143 : f32 to vector<416x1xf32>
    %broadcast_in_dim3A_145 = arith.constant 0.000000e+00 : f32
    %broadcast_in_dim3A_146 = vector.broadcast %broadcast_in_dim3A_145 : f32 to vector<416x1xf32>
    %mul3A_147 = arith.muli %add3A_138, %select_n3A_58 : vector<8x3840xi32>
    %slice3A_148 = vector.extract_strided_slice %mul3A_147 {offsets = [0, 0], sizes = [1, 3840], strides = [1, 1]} : vector<8x3840xi32> to vector<1x3840xi32>
    %slice3A_149 = vector.extract_strided_slice %get3A_3 {offsets = [0, 0], sizes = [1, 3840], strides = [1, 1]} : vector<8x3840xf32> to vector<1x3840xf32>
    %eq3A_150 = vector.broadcast %slice3A_148 : vector<1x3840xi32> to vector<416x3840xi32>
    %eq3A_151 = vector.broadcast %add3A_142 : vector<416x1xi32> to vector<416x3840xi32>
    %eq3A_152 = arith.cmpi eq, %eq3A_150, %eq3A_151 : vector<416x3840xi32>
    %jit3A_153 = arith.constant 1.000000e+00 : f32
    %jit3A_154 = arith.constant 0.000000e+00 : f32
    %broadcast_in_dim3A_155 = vector.broadcast %jit3A_153 : f32 to vector<416x3840xf32>
    %broadcast_in_dim3A_156 = vector.broadcast %jit3A_154 : f32 to vector<416x3840xf32>
    %select_n3A_157 = arith.select %eq3A_152, %broadcast_in_dim3A_155, %broadcast_in_dim3A_156 : vector<416x3840xi1>, vector<416x3840xf32>
    %iota3A_158 = tpu.iota {dimensions = array<i32: 1>} : vector<1x3840xi32>
    %add3A_159 = arith.constant 0 : i32
    %add3A_160 = vector.broadcast %add3A_159 : i32 to vector<1x3840xi32>
    %add3A_161 = arith.addi %iota3A_158, %add3A_160 : vector<1x3840xi32>
    %convert_element_type3A = arith.sitofp %add3A_161 : vector<1x3840xi32> to vector<1x3840xf32>
    %mul3A_162 = vector.broadcast %convert_element_type3A : vector<1x3840xf32> to vector<416x3840xf32>
    %mul3A_163 = arith.mulf %select_n3A_157, %mul3A_162 : vector<416x3840xf32>
    %reduce_sum3A_164 = arith.constant dense<0.000000e+00> : vector<416xf32>
    %reduce_sum3A_165 = vector.multi_reduction <add>, %mul3A_163, %reduce_sum3A_164 [1] : vector<416x3840xf32> to vector<416xf32>
    %broadcast_in_dim3A_166 = vector.shape_cast %reduce_sum3A_165 : vector<416xf32> to vector<416x1xf32>
    %add3A_167 = arith.addf %broadcast_in_dim3A_144, %broadcast_in_dim3A_166 : vector<416x1xf32>
    %mul3A_168 = vector.broadcast %slice3A_149 : vector<1x3840xf32> to vector<416x3840xf32>
    %mul3A_169 = arith.mulf %select_n3A_157, %mul3A_168 : vector<416x3840xf32>
    %reduce_sum3A_170 = arith.constant dense<0.000000e+00> : vector<416xf32>
    %reduce_sum3A_171 = vector.multi_reduction <add>, %mul3A_169, %reduce_sum3A_170 [1] : vector<416x3840xf32> to vector<416xf32>
    %broadcast_in_dim3A_172 = vector.shape_cast %reduce_sum3A_171 : vector<416xf32> to vector<416x1xf32>
    %add3A_173 = arith.addf %broadcast_in_dim3A_146, %broadcast_in_dim3A_172 : vector<416x1xf32>
    %slice3A_174 = vector.extract_strided_slice %mul3A_147 {offsets = [1, 0], sizes = [1, 3840], strides = [1, 1]} : vector<8x3840xi32> to vector<1x3840xi32>
    %slice3A_175 = vector.extract_strided_slice %get3A_3 {offsets = [1, 0], sizes = [1, 3840], strides = [1, 1]} : vector<8x3840xf32> to vector<1x3840xf32>
    %eq3A_176 = vector.broadcast %slice3A_174 : vector<1x3840xi32> to vector<416x3840xi32>
    %eq3A_177 = vector.broadcast %add3A_142 : vector<416x1xi32> to vector<416x3840xi32>
    %eq3A_178 = arith.cmpi eq, %eq3A_176, %eq3A_177 : vector<416x3840xi32>
    %jit3A_179 = arith.constant 1.000000e+00 : f32
    %jit3A_180 = arith.constant 0.000000e+00 : f32
    %broadcast_in_dim3A_181 = vector.broadcast %jit3A_179 : f32 to vector<416x3840xf32>
    %broadcast_in_dim3A_182 = vector.broadcast %jit3A_180 : f32 to vector<416x3840xf32>
    %select_n3A_183 = arith.select %eq3A_178, %broadcast_in_dim3A_181, %broadcast_in_dim3A_182 : vector<416x3840xi1>, vector<416x3840xf32>
    %iota3A_184 = tpu.iota {dimensions = array<i32: 1>} : vector<1x3840xi32>
    %add3A_185 = arith.constant 3840 : i32
    %add3A_186 = vector.broadcast %add3A_185 : i32 to vector<1x3840xi32>
    %add3A_187 = arith.addi %iota3A_184, %add3A_186 : vector<1x3840xi32>
    %convert_element_type3A_188 = arith.sitofp %add3A_187 : vector<1x3840xi32> to vector<1x3840xf32>
    %mul3A_189 = vector.broadcast %convert_element_type3A_188 : vector<1x3840xf32> to vector<416x3840xf32>
    %mul3A_190 = arith.mulf %select_n3A_183, %mul3A_189 : vector<416x3840xf32>
    %reduce_sum3A_191 = arith.constant dense<0.000000e+00> : vector<416xf32>
    %reduce_sum3A_192 = vector.multi_reduction <add>, %mul3A_190, %reduce_sum3A_191 [1] : vector<416x3840xf32> to vector<416xf32>
    %broadcast_in_dim3A_193 = vector.shape_cast %reduce_sum3A_192 : vector<416xf32> to vector<416x1xf32>
    %add3A_194 = arith.addf %add3A_167, %broadcast_in_dim3A_193 : vector<416x1xf32>
    %mul3A_195 = vector.broadcast %slice3A_175 : vector<1x3840xf32> to vector<416x3840xf32>
    %mul3A_196 = arith.mulf %select_n3A_183, %mul3A_195 : vector<416x3840xf32>
    %reduce_sum3A_197 = arith.constant dense<0.000000e+00> : vector<416xf32>
    %reduce_sum3A_198 = vector.multi_reduction <add>, %mul3A_196, %reduce_sum3A_197 [1] : vector<416x3840xf32> to vector<416xf32>
    %broadcast_in_dim3A_199 = vector.shape_cast %reduce_sum3A_198 : vector<416xf32> to vector<416x1xf32>
    %add3A_200 = arith.addf %add3A_173, %broadcast_in_dim3A_199 : vector<416x1xf32>
    %slice3A_201 = vector.extract_strided_slice %mul3A_147 {offsets = [2, 0], sizes = [1, 3840], strides = [1, 1]} : vector<8x3840xi32> to vector<1x3840xi32>
    %slice3A_202 = vector.extract_strided_slice %get3A_3 {offsets = [2, 0], sizes = [1, 3840], strides = [1, 1]} : vector<8x3840xf32> to vector<1x3840xf32>
    %eq3A_203 = vector.broadcast %slice3A_201 : vector<1x3840xi32> to vector<416x3840xi32>
    %eq3A_204 = vector.broadcast %add3A_142 : vector<416x1xi32> to vector<416x3840xi32>
    %eq3A_205 = arith.cmpi eq, %eq3A_203, %eq3A_204 : vector<416x3840xi32>
    %jit3A_206 = arith.constant 1.000000e+00 : f32
    %jit3A_207 = arith.constant 0.000000e+00 : f32
    %broadcast_in_dim3A_208 = vector.broadcast %jit3A_206 : f32 to vector<416x3840xf32>
    %broadcast_in_dim3A_209 = vector.broadcast %jit3A_207 : f32 to vector<416x3840xf32>
    %select_n3A_210 = arith.select %eq3A_205, %broadcast_in_dim3A_208, %broadcast_in_dim3A_209 : vector<416x3840xi1>, vector<416x3840xf32>
    %iota3A_211 = tpu.iota {dimensions = array<i32: 1>} : vector<1x3840xi32>
    %add3A_212 = arith.constant 7680 : i32
    %add3A_213 = vector.broadcast %add3A_212 : i32 to vector<1x3840xi32>
    %add3A_214 = arith.addi %iota3A_211, %add3A_213 : vector<1x3840xi32>
    %convert_element_type3A_215 = arith.sitofp %add3A_214 : vector<1x3840xi32> to vector<1x3840xf32>
    %mul3A_216 = vector.broadcast %convert_element_type3A_215 : vector<1x3840xf32> to vector<416x3840xf32>
    %mul3A_217 = arith.mulf %select_n3A_210, %mul3A_216 : vector<416x3840xf32>
    %reduce_sum3A_218 = arith.constant dense<0.000000e+00> : vector<416xf32>
    %reduce_sum3A_219 = vector.multi_reduction <add>, %mul3A_217, %reduce_sum3A_218 [1] : vector<416x3840xf32> to vector<416xf32>
    %broadcast_in_dim3A_220 = vector.shape_cast %reduce_sum3A_219 : vector<416xf32> to vector<416x1xf32>
    %add3A_221 = arith.addf %add3A_194, %broadcast_in_dim3A_220 : vector<416x1xf32>
    %mul3A_222 = vector.broadcast %slice3A_202 : vector<1x3840xf32> to vector<416x3840xf32>
    %mul3A_223 = arith.mulf %select_n3A_210, %mul3A_222 : vector<416x3840xf32>
    %reduce_sum3A_224 = arith.constant dense<0.000000e+00> : vector<416xf32>
    %reduce_sum3A_225 = vector.multi_reduction <add>, %mul3A_223, %reduce_sum3A_224 [1] : vector<416x3840xf32> to vector<416xf32>
    %broadcast_in_dim3A_226 = vector.shape_cast %reduce_sum3A_225 : vector<416xf32> to vector<416x1xf32>
    %add3A_227 = arith.addf %add3A_200, %broadcast_in_dim3A_226 : vector<416x1xf32>
    %slice3A_228 = vector.extract_strided_slice %mul3A_147 {offsets = [3, 0], sizes = [1, 3840], strides = [1, 1]} : vector<8x3840xi32> to vector<1x3840xi32>
    %slice3A_229 = vector.extract_strided_slice %get3A_3 {offsets = [3, 0], sizes = [1, 3840], strides = [1, 1]} : vector<8x3840xf32> to vector<1x3840xf32>
    %eq3A_230 = vector.broadcast %slice3A_228 : vector<1x3840xi32> to vector<416x3840xi32>
    %eq3A_231 = vector.broadcast %add3A_142 : vector<416x1xi32> to vector<416x3840xi32>
    %eq3A_232 = arith.cmpi eq, %eq3A_230, %eq3A_231 : vector<416x3840xi32>
    %jit3A_233 = arith.constant 1.000000e+00 : f32
    %jit3A_234 = arith.constant 0.000000e+00 : f32
    %broadcast_in_dim3A_235 = vector.broadcast %jit3A_233 : f32 to vector<416x3840xf32>
    %broadcast_in_dim3A_236 = vector.broadcast %jit3A_234 : f32 to vector<416x3840xf32>
    %select_n3A_237 = arith.select %eq3A_232, %broadcast_in_dim3A_235, %broadcast_in_dim3A_236 : vector<416x3840xi1>, vector<416x3840xf32>
    %iota3A_238 = tpu.iota {dimensions = array<i32: 1>} : vector<1x3840xi32>
    %add3A_239 = arith.constant 11520 : i32
    %add3A_240 = vector.broadcast %add3A_239 : i32 to vector<1x3840xi32>
    %add3A_241 = arith.addi %iota3A_238, %add3A_240 : vector<1x3840xi32>
    %convert_element_type3A_242 = arith.sitofp %add3A_241 : vector<1x3840xi32> to vector<1x3840xf32>
    %mul3A_243 = vector.broadcast %convert_element_type3A_242 : vector<1x3840xf32> to vector<416x3840xf32>
    %mul3A_244 = arith.mulf %select_n3A_237, %mul3A_243 : vector<416x3840xf32>
    %reduce_sum3A_245 = arith.constant dense<0.000000e+00> : vector<416xf32>
    %reduce_sum3A_246 = vector.multi_reduction <add>, %mul3A_244, %reduce_sum3A_245 [1] : vector<416x3840xf32> to vector<416xf32>
    %broadcast_in_dim3A_247 = vector.shape_cast %reduce_sum3A_246 : vector<416xf32> to vector<416x1xf32>
    %add3A_248 = arith.addf %add3A_221, %broadcast_in_dim3A_247 : vector<416x1xf32>
    %mul3A_249 = vector.broadcast %slice3A_229 : vector<1x3840xf32> to vector<416x3840xf32>
    %mul3A_250 = arith.mulf %select_n3A_237, %mul3A_249 : vector<416x3840xf32>
    %reduce_sum3A_251 = arith.constant dense<0.000000e+00> : vector<416xf32>
    %reduce_sum3A_252 = vector.multi_reduction <add>, %mul3A_250, %reduce_sum3A_251 [1] : vector<416x3840xf32> to vector<416xf32>
    %broadcast_in_dim3A_253 = vector.shape_cast %reduce_sum3A_252 : vector<416xf32> to vector<416x1xf32>
    %add3A_254 = arith.addf %add3A_227, %broadcast_in_dim3A_253 : vector<416x1xf32>
    %slice3A_255 = vector.extract_strided_slice %mul3A_147 {offsets = [4, 0], sizes = [1, 3840], strides = [1, 1]} : vector<8x3840xi32> to vector<1x3840xi32>
    %slice3A_256 = vector.extract_strided_slice %get3A_3 {offsets = [4, 0], sizes = [1, 3840], strides = [1, 1]} : vector<8x3840xf32> to vector<1x3840xf32>
    %eq3A_257 = vector.broadcast %slice3A_255 : vector<1x3840xi32> to vector<416x3840xi32>
    %eq3A_258 = vector.broadcast %add3A_142 : vector<416x1xi32> to vector<416x3840xi32>
    %eq3A_259 = arith.cmpi eq, %eq3A_257, %eq3A_258 : vector<416x3840xi32>
    %jit3A_260 = arith.constant 1.000000e+00 : f32
    %jit3A_261 = arith.constant 0.000000e+00 : f32
    %broadcast_in_dim3A_262 = vector.broadcast %jit3A_260 : f32 to vector<416x3840xf32>
    %broadcast_in_dim3A_263 = vector.broadcast %jit3A_261 : f32 to vector<416x3840xf32>
    %select_n3A_264 = arith.select %eq3A_259, %broadcast_in_dim3A_262, %broadcast_in_dim3A_263 : vector<416x3840xi1>, vector<416x3840xf32>
    %iota3A_265 = tpu.iota {dimensions = array<i32: 1>} : vector<1x3840xi32>
    %add3A_266 = arith.constant 15360 : i32
    %add3A_267 = vector.broadcast %add3A_266 : i32 to vector<1x3840xi32>
    %add3A_268 = arith.addi %iota3A_265, %add3A_267 : vector<1x3840xi32>
    %convert_element_type3A_269 = arith.sitofp %add3A_268 : vector<1x3840xi32> to vector<1x3840xf32>
    %mul3A_270 = vector.broadcast %convert_element_type3A_269 : vector<1x3840xf32> to vector<416x3840xf32>
    %mul3A_271 = arith.mulf %select_n3A_264, %mul3A_270 : vector<416x3840xf32>
    %reduce_sum3A_272 = arith.constant dense<0.000000e+00> : vector<416xf32>
    %reduce_sum3A_273 = vector.multi_reduction <add>, %mul3A_271, %reduce_sum3A_272 [1] : vector<416x3840xf32> to vector<416xf32>
    %broadcast_in_dim3A_274 = vector.shape_cast %reduce_sum3A_273 : vector<416xf32> to vector<416x1xf32>
    %add3A_275 = arith.addf %add3A_248, %broadcast_in_dim3A_274 : vector<416x1xf32>
    %mul3A_276 = vector.broadcast %slice3A_256 : vector<1x3840xf32> to vector<416x3840xf32>
    %mul3A_277 = arith.mulf %select_n3A_264, %mul3A_276 : vector<416x3840xf32>
    %reduce_sum3A_278 = arith.constant dense<0.000000e+00> : vector<416xf32>
    %reduce_sum3A_279 = vector.multi_reduction <add>, %mul3A_277, %reduce_sum3A_278 [1] : vector<416x3840xf32> to vector<416xf32>
    %broadcast_in_dim3A_280 = vector.shape_cast %reduce_sum3A_279 : vector<416xf32> to vector<416x1xf32>
    %add3A_281 = arith.addf %add3A_254, %broadcast_in_dim3A_280 : vector<416x1xf32>
    %slice3A_282 = vector.extract_strided_slice %mul3A_147 {offsets = [5, 0], sizes = [1, 3840], strides = [1, 1]} : vector<8x3840xi32> to vector<1x3840xi32>
    %slice3A_283 = vector.extract_strided_slice %get3A_3 {offsets = [5, 0], sizes = [1, 3840], strides = [1, 1]} : vector<8x3840xf32> to vector<1x3840xf32>
    %eq3A_284 = vector.broadcast %slice3A_282 : vector<1x3840xi32> to vector<416x3840xi32>
    %eq3A_285 = vector.broadcast %add3A_142 : vector<416x1xi32> to vector<416x3840xi32>
    %eq3A_286 = arith.cmpi eq, %eq3A_284, %eq3A_285 : vector<416x3840xi32>
    %jit3A_287 = arith.constant 1.000000e+00 : f32
    %jit3A_288 = arith.constant 0.000000e+00 : f32
    %broadcast_in_dim3A_289 = vector.broadcast %jit3A_287 : f32 to vector<416x3840xf32>
    %broadcast_in_dim3A_290 = vector.broadcast %jit3A_288 : f32 to vector<416x3840xf32>
    %select_n3A_291 = arith.select %eq3A_286, %broadcast_in_dim3A_289, %broadcast_in_dim3A_290 : vector<416x3840xi1>, vector<416x3840xf32>
    %iota3A_292 = tpu.iota {dimensions = array<i32: 1>} : vector<1x3840xi32>
    %add3A_293 = arith.constant 19200 : i32
    %add3A_294 = vector.broadcast %add3A_293 : i32 to vector<1x3840xi32>
    %add3A_295 = arith.addi %iota3A_292, %add3A_294 : vector<1x3840xi32>
    %convert_element_type3A_296 = arith.sitofp %add3A_295 : vector<1x3840xi32> to vector<1x3840xf32>
    %mul3A_297 = vector.broadcast %convert_element_type3A_296 : vector<1x3840xf32> to vector<416x3840xf32>
    %mul3A_298 = arith.mulf %select_n3A_291, %mul3A_297 : vector<416x3840xf32>
    %reduce_sum3A_299 = arith.constant dense<0.000000e+00> : vector<416xf32>
    %reduce_sum3A_300 = vector.multi_reduction <add>, %mul3A_298, %reduce_sum3A_299 [1] : vector<416x3840xf32> to vector<416xf32>
    %broadcast_in_dim3A_301 = vector.shape_cast %reduce_sum3A_300 : vector<416xf32> to vector<416x1xf32>
    %add3A_302 = arith.addf %add3A_275, %broadcast_in_dim3A_301 : vector<416x1xf32>
    %mul3A_303 = vector.broadcast %slice3A_283 : vector<1x3840xf32> to vector<416x3840xf32>
    %mul3A_304 = arith.mulf %select_n3A_291, %mul3A_303 : vector<416x3840xf32>
    %reduce_sum3A_305 = arith.constant dense<0.000000e+00> : vector<416xf32>
    %reduce_sum3A_306 = vector.multi_reduction <add>, %mul3A_304, %reduce_sum3A_305 [1] : vector<416x3840xf32> to vector<416xf32>
    %broadcast_in_dim3A_307 = vector.shape_cast %reduce_sum3A_306 : vector<416xf32> to vector<416x1xf32>
    %add3A_308 = arith.addf %add3A_281, %broadcast_in_dim3A_307 : vector<416x1xf32>
    %slice3A_309 = vector.extract_strided_slice %mul3A_147 {offsets = [6, 0], sizes = [1, 3840], strides = [1, 1]} : vector<8x3840xi32> to vector<1x3840xi32>
    %slice3A_310 = vector.extract_strided_slice %get3A_3 {offsets = [6, 0], sizes = [1, 3840], strides = [1, 1]} : vector<8x3840xf32> to vector<1x3840xf32>
    %eq3A_311 = vector.broadcast %slice3A_309 : vector<1x3840xi32> to vector<416x3840xi32>
    %eq3A_312 = vector.broadcast %add3A_142 : vector<416x1xi32> to vector<416x3840xi32>
    %eq3A_313 = arith.cmpi eq, %eq3A_311, %eq3A_312 : vector<416x3840xi32>
    %jit3A_314 = arith.constant 1.000000e+00 : f32
    %jit3A_315 = arith.constant 0.000000e+00 : f32
    %broadcast_in_dim3A_316 = vector.broadcast %jit3A_314 : f32 to vector<416x3840xf32>
    %broadcast_in_dim3A_317 = vector.broadcast %jit3A_315 : f32 to vector<416x3840xf32>
    %select_n3A_318 = arith.select %eq3A_313, %broadcast_in_dim3A_316, %broadcast_in_dim3A_317 : vector<416x3840xi1>, vector<416x3840xf32>
    %iota3A_319 = tpu.iota {dimensions = array<i32: 1>} : vector<1x3840xi32>
    %add3A_320 = arith.constant 23040 : i32
    %add3A_321 = vector.broadcast %add3A_320 : i32 to vector<1x3840xi32>
    %add3A_322 = arith.addi %iota3A_319, %add3A_321 : vector<1x3840xi32>
    %convert_element_type3A_323 = arith.sitofp %add3A_322 : vector<1x3840xi32> to vector<1x3840xf32>
    %mul3A_324 = vector.broadcast %convert_element_type3A_323 : vector<1x3840xf32> to vector<416x3840xf32>
    %mul3A_325 = arith.mulf %select_n3A_318, %mul3A_324 : vector<416x3840xf32>
    %reduce_sum3A_326 = arith.constant dense<0.000000e+00> : vector<416xf32>
    %reduce_sum3A_327 = vector.multi_reduction <add>, %mul3A_325, %reduce_sum3A_326 [1] : vector<416x3840xf32> to vector<416xf32>
    %broadcast_in_dim3A_328 = vector.shape_cast %reduce_sum3A_327 : vector<416xf32> to vector<416x1xf32>
    %add3A_329 = arith.addf %add3A_302, %broadcast_in_dim3A_328 : vector<416x1xf32>
    %mul3A_330 = vector.broadcast %slice3A_310 : vector<1x3840xf32> to vector<416x3840xf32>
    %mul3A_331 = arith.mulf %select_n3A_318, %mul3A_330 : vector<416x3840xf32>
    %reduce_sum3A_332 = arith.constant dense<0.000000e+00> : vector<416xf32>
    %reduce_sum3A_333 = vector.multi_reduction <add>, %mul3A_331, %reduce_sum3A_332 [1] : vector<416x3840xf32> to vector<416xf32>
    %broadcast_in_dim3A_334 = vector.shape_cast %reduce_sum3A_333 : vector<416xf32> to vector<416x1xf32>
    %add3A_335 = arith.addf %add3A_308, %broadcast_in_dim3A_334 : vector<416x1xf32>
    %slice3A_336 = vector.extract_strided_slice %mul3A_147 {offsets = [7, 0], sizes = [1, 3840], strides = [1, 1]} : vector<8x3840xi32> to vector<1x3840xi32>
    %slice3A_337 = vector.extract_strided_slice %get3A_3 {offsets = [7, 0], sizes = [1, 3840], strides = [1, 1]} : vector<8x3840xf32> to vector<1x3840xf32>
    %eq3A_338 = vector.broadcast %slice3A_336 : vector<1x3840xi32> to vector<416x3840xi32>
    %eq3A_339 = vector.broadcast %add3A_142 : vector<416x1xi32> to vector<416x3840xi32>
    %eq3A_340 = arith.cmpi eq, %eq3A_338, %eq3A_339 : vector<416x3840xi32>
    %jit3A_341 = arith.constant 1.000000e+00 : f32
    %jit3A_342 = arith.constant 0.000000e+00 : f32
    %broadcast_in_dim3A_343 = vector.broadcast %jit3A_341 : f32 to vector<416x3840xf32>
    %broadcast_in_dim3A_344 = vector.broadcast %jit3A_342 : f32 to vector<416x3840xf32>
    %select_n3A_345 = arith.select %eq3A_340, %broadcast_in_dim3A_343, %broadcast_in_dim3A_344 : vector<416x3840xi1>, vector<416x3840xf32>
    %iota3A_346 = tpu.iota {dimensions = array<i32: 1>} : vector<1x3840xi32>
    %add3A_347 = arith.constant 26880 : i32
    %add3A_348 = vector.broadcast %add3A_347 : i32 to vector<1x3840xi32>
    %add3A_349 = arith.addi %iota3A_346, %add3A_348 : vector<1x3840xi32>
    %convert_element_type3A_350 = arith.sitofp %add3A_349 : vector<1x3840xi32> to vector<1x3840xf32>
    %mul3A_351 = vector.broadcast %convert_element_type3A_350 : vector<1x3840xf32> to vector<416x3840xf32>
    %mul3A_352 = arith.mulf %select_n3A_345, %mul3A_351 : vector<416x3840xf32>
    %reduce_sum3A_353 = arith.constant dense<0.000000e+00> : vector<416xf32>
    %reduce_sum3A_354 = vector.multi_reduction <add>, %mul3A_352, %reduce_sum3A_353 [1] : vector<416x3840xf32> to vector<416xf32>
    %broadcast_in_dim3A_355 = vector.shape_cast %reduce_sum3A_354 : vector<416xf32> to vector<416x1xf32>
    %add3A_356 = arith.addf %add3A_329, %broadcast_in_dim3A_355 : vector<416x1xf32>
    %mul3A_357 = vector.broadcast %slice3A_337 : vector<1x3840xf32> to vector<416x3840xf32>
    %mul3A_358 = arith.mulf %select_n3A_345, %mul3A_357 : vector<416x3840xf32>
    %reduce_sum3A_359 = arith.constant dense<0.000000e+00> : vector<416xf32>
    %reduce_sum3A_360 = vector.multi_reduction <add>, %mul3A_358, %reduce_sum3A_359 [1] : vector<416x3840xf32> to vector<416xf32>
    %broadcast_in_dim3A_361 = vector.shape_cast %reduce_sum3A_360 : vector<416xf32> to vector<416x1xf32>
    %add3A_362 = arith.addf %add3A_335, %broadcast_in_dim3A_361 : vector<416x1xf32>
    %convert_element_type3A_363 = arith.fptosi %add3A_356 : vector<416x1xf32> to vector<416x1xi32>
    %mul3A_364 = arith.constant 69906 : i32
    %mul3A_365 = vector.broadcast %mul3A_364 : i32 to vector<416x1xi32>
    %mul3A_366 = arith.muli %convert_element_type3A_363, %mul3A_365 : vector<416x1xi32>
    %shift_right_arithmetic3A = arith.constant 20 : i32
    %shift_right_arithmetic3A_367 = vector.broadcast %shift_right_arithmetic3A : i32 to vector<416x1xi32>
    %shift_right_arithmetic3A_368 = arith.shrsi %mul3A_366, %shift_right_arithmetic3A_367 : vector<416x1xi32>
    %reshape3A = vector.shape_cast %convert_element_type3A_363 : vector<416x1xi32> to vector<1x416xi32>
    %swap3A = arith.constant 0 : index
    %swap3A_369 = arith.constant 0 : index
    %swap3A_370 = arith.constant 0 : index
    %swap3A_371 = vector.load %arg3[%swap3A, %swap3A_369, %swap3A_370] : memref<1x1x416xi32, #tpu.memory_space<vmem>>, vector<1x1x416xi32>
    %swap3A_372 = vector.shape_cast %swap3A_371 : vector<1x1x416xi32> to vector<1x416xi32>
    %swap3A_373 = vector.shape_cast %reshape3A : vector<1x416xi32> to vector<1x1x416xi32>
    tpu.vector_store %arg3[%swap3A, %swap3A_369, %swap3A_370], %swap3A_373 {strides = array<i32>} : memref<1x1x416xi32, #tpu.memory_space<vmem>>, vector<1x1x416xi32>,
    %reshape3A_374 = vector.shape_cast %add3A_362 : vector<416x1xf32> to vector<1x416xf32>
    %swap3A_375 = arith.constant 0 : index
    %swap3A_376 = arith.constant 0 : index
    %swap3A_377 = arith.constant 0 : index
    %swap3A_378 = vector.load %arg4[%swap3A_375, %swap3A_376, %swap3A_377] : memref<1x1x416xf32, #tpu.memory_space<vmem>>, vector<1x1x416xf32>
    %swap3A_379 = vector.shape_cast %swap3A_378 : vector<1x1x416xf32> to vector<1x416xf32>
    %swap3A_380 = vector.shape_cast %reshape3A_374 : vector<1x416xf32> to vector<1x1x416xf32>
    tpu.vector_store %arg4[%swap3A_375, %swap3A_376, %swap3A_377], %swap3A_380 {strides = array<i32>} : memref<1x1x416xf32, #tpu.memory_space<vmem>>, vector<1x1x416xf32>,
    %reshape3A_381 = vector.shape_cast %shift_right_arithmetic3A_368 : vector<416x1xi32> to vector<1x416xi32>
    %swap3A_382 = arith.constant 0 : index
    %swap3A_383 = arith.constant 0 : index
    %swap3A_384 = arith.constant 0 : index
    %swap3A_385 = vector.load %arg5[%swap3A_382, %swap3A_383, %swap3A_384] : memref<1x1x416xi32, #tpu.memory_space<vmem>>, vector<1x1x416xi32>
    %swap3A_386 = vector.shape_cast %swap3A_385 : vector<1x1x416xi32> to vector<1x416xi32>
    %swap3A_387 = vector.shape_cast %reshape3A_381 : vector<1x416xi32> to vector<1x1x416xi32>
    tpu.vector_store %arg5[%swap3A_382, %swap3A_383, %swap3A_384], %swap3A_387 {strides = array<i32>} : memref<1x1x416xi32, #tpu.memory_space<vmem>>, vector<1x1x416xi32>,
    %mul3A_388 = arith.constant 14 : i32
    %mul3A_389 = vector.broadcast %mul3A_388 : i32 to vector<416x1xi32>
    %mul3A_390 = arith.muli %shift_right_arithmetic3A_368, %mul3A_389 : vector<416x1xi32>
    %sub3A_391 = arith.subi %convert_element_type3A_363, %mul3A_390 : vector<416x1xi32>
    %reshape3A_392 = vector.shape_cast %sub3A_391 : vector<416x1xi32> to vector<1x416xi32>
    %swap3A_393 = arith.constant 0 : index
    %swap3A_394 = arith.constant 0 : index
    %swap3A_395 = arith.constant 0 : index
    %swap3A_396 = vector.load %arg6[%swap3A_393, %swap3A_394, %swap3A_395] : memref<1x1x416xi32, #tpu.memory_space<vmem>>, vector<1x1x416xi32>
    %swap3A_397 = vector.shape_cast %swap3A_396 : vector<1x1x416xi32> to vector<1x416xi32>
    %swap3A_398 = vector.shape_cast %reshape3A_392 : vector<1x416xi32> to vector<1x1x416xi32>
    tpu.vector_store %arg6[%swap3A_393, %swap3A_394, %swap3A_395], %swap3A_398 {strides = array<i32>} : memref<1x1x416xi32, #tpu.memory_space<vmem>>, vector<1x1x416xi32>,
    %get3A_399 = arith.constant 0 : index
    %get3A_400 = arith.constant 0 : index
    %get3A_401 = arith.constant 0 : index
    %get3A_402 = vector.load %arg2[%get3A_399, %get3A_400, %get3A_401] : memref<1x1x1xi32, #tpu.memory_space<vmem>>, vector<1x1x1xi32>
    %get3A_403 = vector.shape_cast %get3A_402 : vector<1x1x1xi32> to vector<1x1xi32>
    %convert_element_type3A_404 = arith.sitofp %get3A_403 : vector<1x1xi32> to vector<1x1xf32>
    %mul3A_405 = arith.constant 2.000000e-01 : f32
    %mul3A_406 = vector.broadcast %mul3A_405 : f32 to vector<1x1xf32>
    %mul3A_407 = arith.mulf %mul3A_406, %convert_element_type3A_404 : vector<1x1xf32>
    %ceil3A = math.ceil %mul3A_407 : vector<1x1xf32>
    %convert_element_type3A_408 = arith.fptosi %ceil3A : vector<1x1xf32> to vector<1x1xi32>
    %min3A = arith.constant 410 : i32
    %min3A_409 = vector.broadcast %min3A : i32 to vector<1x1xi32>
    %min3A_410 = arith.minsi %convert_element_type3A_408, %min3A_409 : vector<1x1xi32>
    %iota3A_411 = tpu.iota {dimensions = array<i32: 0>} : vector<410x410xi32>
    %iota3A_412 = tpu.iota {dimensions = array<i32: 1>} : vector<410x410xi32>
    %lt3A = vector.broadcast %min3A_410 : vector<1x1xi32> to vector<410x410xi32>
    %lt3A_413 = arith.cmpi slt, %iota3A_411, %lt3A : vector<410x410xi32>
    %lt3A_414 = vector.broadcast %min3A_410 : vector<1x1xi32> to vector<410x410xi32>
    %lt3A_415 = arith.cmpi slt, %iota3A_412, %lt3A_414 : vector<410x410xi32>
    %and3A_416 = arith.andi %lt3A_413, %lt3A_415 : vector<410x410xi1>
    %jit3A_417 = arith.constant 1.000000e+00 : f32
    %jit3A_418 = arith.constant 0.000000e+00 : f32
    %broadcast_in_dim3A_419 = vector.broadcast %jit3A_417 : f32 to vector<410x410xf32>
    %broadcast_in_dim3A_420 = vector.broadcast %jit3A_418 : f32 to vector<410x410xf32>
    %select_n3A_421 = arith.select %and3A_416, %broadcast_in_dim3A_419, %broadcast_in_dim3A_420 : vector<410x410xi1>, vector<410x410xf32>
    %swap3A_422 = arith.constant 0 : index
    %swap3A_423 = arith.constant 0 : index
    %swap3A_424 = arith.constant 0 : index
    %swap3A_425 = vector.load %arg7[%swap3A_422, %swap3A_423, %swap3A_424] : memref<1x410x410xf32, #tpu.memory_space<vmem>>, vector<1x410x410xf32>
    %swap3A_426 = vector.shape_cast %swap3A_425 : vector<1x410x410xf32> to vector<410x410xf32>
    %swap3A_427 = vector.shape_cast %select_n3A_421 : vector<410x410xf32> to vector<1x410x410xf32>
    tpu.vector_store %arg7[%swap3A_422, %swap3A_423, %swap3A_424], %swap3A_427 {strides = array<i32>} : memref<1x410x410xf32, #tpu.memory_space<vmem>>, vector<1x410x410xf32>,
    %le3A_428 = arith.cmpi sle, %iota3A_412, %iota3A_411 : vector<410x410xi32>
    %jit3A_429 = arith.constant 1.000000e+00 : f32
    %jit3A_430 = arith.constant 0.000000e+00 : f32
    %broadcast_in_dim3A_431 = vector.broadcast %jit3A_429 : f32 to vector<410x410xf32>
    %broadcast_in_dim3A_432 = vector.broadcast %jit3A_430 : f32 to vector<410x410xf32>
    %select_n3A_433 = arith.select %le3A_428, %broadcast_in_dim3A_431, %broadcast_in_dim3A_432 : vector<410x410xi1>, vector<410x410xf32>
    %mul3A_434 = arith.mulf %select_n3A_421, %select_n3A_433 : vector<410x410xf32>
    %swap3A_435 = arith.constant 0 : index
    %swap3A_436 = arith.constant 0 : index
    %swap3A_437 = arith.constant 0 : index
    %swap3A_438 = vector.load %arg8[%swap3A_435, %swap3A_436, %swap3A_437] : memref<1x410x410xf32, #tpu.memory_space<vmem>>, vector<1x410x410xf32>
    %swap3A_439 = vector.shape_cast %swap3A_438 : vector<1x410x410xf32> to vector<410x410xf32>
    %swap3A_440 = vector.shape_cast %mul3A_434 : vector<410x410xf32> to vector<1x410x410xf32>
    tpu.vector_store %arg8[%swap3A_435, %swap3A_436, %swap3A_437], %swap3A_440 {strides = array<i32>} : memref<1x410x410xf32, #tpu.memory_space<vmem>>, vector<1x410x410xf32>,
    return
  }
  func.func @transform_0(%arg0: i32) -> (i32, i32, i32) {
    %c0_i32 = arith.constant 0 : i32
    %c0_i32_0 = arith.constant 0 : i32
    %c0_i32_1 = arith.constant 0 : i32
    return %arg0, %c0_i32, %c0_i32_0 : i32, i32, i32
  }
  func.func @transform_1(%arg0: i32) -> (i32, i32, i32) {
    %c0_i32 = arith.constant 0 : i32
    %c0_i32_0 = arith.constant 0 : i32
    %c0_i32_1 = arith.constant 0 : i32
    return %arg0, %c0_i32, %c0_i32_0 : i32, i32, i32
  }
  func.func @transform_2(%arg0: i32) -> (i32, i32, i32) {
    %c0_i32 = arith.constant 0 : i32
    %c0_i32_0 = arith.constant 0 : i32
    %c0_i32_1 = arith.constant 0 : i32
    return %arg0, %c0_i32, %c0_i32_0 : i32, i32, i32
  }
  func.func @transform_3(%arg0: i32) -> (i32, i32, i32) {
    %c0_i32 = arith.constant 0 : i32
    %c0_i32_0 = arith.constant 0 : i32
    %c0_i32_1 = arith.constant 0 : i32
    return %arg0, %c0_i32, %c0_i32_0 : i32, i32, i32
  }
  func.func @transform_4(%arg0: i32) -> (i32, i32, i32) {
    %c0_i32 = arith.constant 0 : i32
    %c0_i32_0 = arith.constant 0 : i32
    %c0_i32_1 = arith.constant 0 : i32
    return %arg0, %c0_i32, %c0_i32_0 : i32, i32, i32
  }
  func.func @transform_5(%arg0: i32) -> (i32, i32, i32) {
    %c0_i32 = arith.constant 0 : i32
    %c0_i32_0 = arith.constant 0 : i32
    %c0_i32_1 = arith.constant 0 : i32
    return %arg0, %c0_i32, %c0_i32_0 : i32, i32, i32
  }
  func.func @transform_6(%arg0: i32) -> (i32, i32, i32) {
    %c0_i32 = arith.constant 0 : i32
    %c0_i32_0 = arith.constant 0 : i32
    %c0_i32_1 = arith.constant 0 : i32
    return %arg0, %c0_i32, %c0_i32_0 : i32, i32, i32
  }
  func.func @transform_7(%arg0: i32) -> (i32, i32, i32) {
    %c0_i32 = arith.constant 0 : i32
    %c0_i32_0 = arith.constant 0 : i32
    %c0_i32_1 = arith.constant 0 : i32
    return %arg0, %c0_i32, %c0_i32_0 : i32, i32, i32
  }
}

</mosaic_0001>

<sc_bundles>
// kernel: kernel.5.cloned.1.call-start
scs
__scs_entry_jumppad:
0x0: {  	(pc) =	sbr.rel $0x88, $3  }
0x1: {  	(tag) =	ssettag $0x0;
	lr =	simm.s32 $0x1  }
0x2: {  	[smem:$0x3F98] =	sst lr;
	_ =	strace $0xD0000000  }
0x3: {  	_ = 	snop  }
0x4: {  	_ = 	snop  }
0x5: {  	_ = 	snop  }
0x6: {  	_ = 	snop  }
0x7: {  	_ = 	snop  }
__scs_overlays_trampoline_lowered:
0x8: {  	[smem:$0x3FA7] =	sst s0  }
0x9: {  	[smem:$0x3FA8] =	sst s1  }
0xa: {  	[smem:$0x3FA9] =	sst s2  }
0xb: {  	[smem:$0x3FAA] =	sst s3  }
0xc: {  	[smem:$0x3FAB] =	sst s4  }
0xd: {  	[smem:$0x3FAC] =	sst s5  }
0xe: {  	[smem:$0x3FAD] =	sst s6  }
0xf: {  	[smem:$0x3FAE] =	sst s7  }
0x10: {  	[smem:$0x3FAF] =	sst s8  }
0x11: {  	[smem:$0x3FB0] =	sst s9;
	s0 =	simm.s32 @!p0 $0x0  }
0x12: {  	s1 =	sld [smem:$0x3F96];
	s0 =	simm.s32 @p0 $0x1  }
0x13: {  	[smem:$0x3FB1] =	sst s0;
	s0 =	simm.s32 @!p1 $0x0  }
0x14: {  	s2 =	sld [smem:$0x3F95];
	s0 =	simm.s32 @p1 $0x1  }
0x15: {  	[smem:$0x3FB2] =	sst s0;
	s0 =	simm.s32 @!p2 $0x0  }
0x16: {  	s3 =	sld [smem:$0x3FDB];
	s0 =	simm.s32 @p2 $0x1  }
0x17: {  	s4 =	simm.s32 $0x1BF5;
	[smem:$0x3FB4] =	sst s0  }
0x18: {  	s0 =	sld [smem:$0x3F97];
	_ =	swait.ge [sflag:s4], $0x0  }
0x19: {  	s7 =	sld [smem:$0x3F98]  }
0x1a: {  	s8 =	sadd.s32 $0xFFFFE003, lr  }
0x1b: {  	s9 =	sadd.s32 $0xFFFFFEF7, lr;
	s5 =	simm.s32 $0xFFFFFFFF;
	p2 =	slt.u32 s8, $0xFFFFF086  }
0x1c: {  	p1 =	slt.u32 s9, $0xF7A;
	s5 =	simm.s32 @!p2 $0x0  }
0x1d: {  	s5 =	simm.s32 @p1 $0x1;
	p0 =	seq.s32 s7, s2  }
0x1e: {  	s7 =	smul.u32 @!p0 $0xF7A, s2;
	p2 =	seq.s32 @!p0 s5, $0x0  }
0x1f: {  	s9 =	smul.u32 $0xF7A, s1;
	s8 =	simm.s32 @!p0 $0x1BF5;
	p2 =	por !p2, p0  }
0x20: {  	[sflag:s8] =	ssyncset.s32 @!p0 $0xFFFFF086;
	s6 =	sadd.s32 @!p0 s3, s7;
	s7 =	simm.s32 @!p0 $0x108  }
0x21: {  	s3 =	sadd.s32 s3, s9;
	s6 =	sadd.s32 @!p0 $0x88, s6;
	s7 =	simm.s32 @p2 $0x1082  }
0x22: {  	[simem:s7], [sflag:s8] =	dma.local @!p0 [hbm:s6], $0xF7A  }
0x23: {  	s9 =	sor.u32 $0xD0000000, s2;
	s6 =	simm.s32 $0x108;
	_ =	swait.ge @!p0 [sflag:s8], $0x0  }
0x24: {  	s3 =	sadd.s32 $0x88, s3;
	s6 =	simm.s32 @!p1 $0x1082;
	[sflag:s4] =	ssyncset.s32 $0xFFFFF086  }
0x25: {  	[simem:s6], [sflag:s4] =	dma.local [hbm:s3], $0xF7A  }
0x26: {  	[smem:$0x3F98] =	sst s1;
	(tag) =	ssettag s2;
	_ =	strace s9  }
0x27: {  	s1 =	sld [smem:$0x3FA8]  }
0x28: {  	s2 =	sld [smem:$0x3FA9]  }
0x29: {  	s4 =	sld [smem:$0x3FAB]  }
0x2a: {  	p0 =	seq.s32 s5, $0x0;
	s5 =	sld [smem:$0x3FAC]  }
0x2b: {  	s6 =	sld [smem:$0x3FAD]  }
0x2c: {  	s7 =	sld [smem:$0x3FAE]  }
0x2d: {  	s3 =	simm.s32 $0x108;
	s8 =	sld [smem:$0x3FAF]  }
0x2e: {  	s3 =	simm.s32 @!p0 $0x1082;
	s9 =	sld [smem:$0x3FB0]  }
0x2f: {  	lr =	sadd.s32 s0, s3;
	s0 =	sld [smem:$0x3FA7]  }
0x30: {  	s3 =	sld [smem:$0x3FAA]  }
0x31: {  	[smem:$0x3FB3] =	sst s10  }
0x32: {  	s10 =	sld [smem:$0x3FB1];
	_ =	sdelay $0x3  }
0x33: {  	p0 =	seq.s32 s10, $0x1;
	s10 =	sld [smem:$0x3FB3];
	_ =	sdelay $0x3  }
0x34: {  	[smem:$0x3FB3] =	sst s10  }
0x35: {  	s10 =	sld [smem:$0x3FB2];
	_ =	sdelay $0x3  }
0x36: {  	p1 =	seq.s32 s10, $0x1;
	s10 =	sld [smem:$0x3FB3];
	_ =	sdelay $0x3  }
0x37: {  	[smem:$0x3FB3] =	sst s10  }
0x38: {  	s10 =	sld [smem:$0x3FB4]  }
0x39: {  	_ = 	snop;
	(pc) =	sbr.ind lr, $3  }
0x3a: {  	_ = 	snop  }
0x3b: {  	_ = 	snop  }
0x3c: {  	p2 =	seq.s32 s10, $0x1;
	s10 =	sld [smem:$0x3FB3]  }
0x3d: {  	_ =	shalt  }
0x3e: {  	_ =	shalt  }
0x3f: {  	_ =	shalt  }
0x40: {  	_ =	shalt  }
0x41: {  	_ =	shalt  }
0x42: {  	_ =	shalt  }
0x43: {  	_ =	shalt  }
0x44: {  	_ =	shalt  }
0x45: {  	_ =	shalt  }
0x46: {  	_ =	shalt  }
0x47: {  	_ =	shalt  }
0x48: {  	_ =	shalt  }
0x49: {  	_ =	shalt  }
0x4a: {  	_ =	shalt  }
0x4b: {  	_ =	shalt  }
0x4c: {  	_ =	shalt  }
0x4d: {  	_ =	shalt  }
0x4e: {  	_ =	shalt  }
0x4f: {  	_ =	shalt  }
0x50: {  	_ =	shalt  }
0x51: {  	_ =	shalt  }
0x52: {  	_ =	shalt  }
0x53: {  	_ =	shalt  }
0x54: {  	_ =	shalt  }
0x55: {  	_ =	shalt  }
0x56: {  	_ =	shalt  }
0x57: {  	_ =	shalt  }
0x58: {  	_ =	shalt  }
0x59: {  	_ =	shalt  }
0x5a: {  	_ =	shalt  }
0x5b: {  	_ =	shalt  }
0x5c: {  	_ =	shalt  }
0x5d: {  	_ =	shalt  }
0x5e: {  	_ =	shalt  }
0x5f: {  	_ =	shalt  }
0x60: {  	_ =	shalt  }
0x61: {  	_ =	shalt  }
0x62: {  	_ =	shalt  }
0x63: {  	_ =	shalt  }
0x64: {  	_ =	shalt  }
0x65: {  	_ =	shalt  }
0x66: {  	_ =	shalt  }
0x67: {  	_ =	shalt  }
0x68: {  	_ =	shalt  }
0x69: {  	_ =	shalt  }
0x6a: {  	_ =	shalt  }
0x6b: {  	_ =	shalt  }
0x6c: {  	_ =	shalt  }
0x6d: {  	_ =	shalt  }
0x6e: {  	_ =	shalt  }
0x6f: {  	_ =	shalt  }
0x70: {  	_ =	shalt  }
0x71: {  	_ =	shalt  }
0x72: {  	_ =	shalt  }
0x73: {  	_ =	shalt  }
0x74: {  	_ =	shalt  }
0x75: {  	_ =	shalt  }
0x76: {  	_ =	shalt  }
0x77: {  	_ =	shalt  }
0x78: {  	_ =	shalt  }
0x79: {  	_ =	shalt  }
0x7a: {  	_ =	shalt  }
0x7b: {  	_ =	shalt  }
0x7c: {  	_ =	shalt  }
0x7d: {  	_ =	shalt  }
0x7e: {  	_ =	shalt  }
0x7f: {  	_ =	shalt  }
0x80: {  	_ =	shalt  }
0x81: {  	_ =	shalt  }
0x82: {  	_ =	shalt  }
0x83: {  	_ =	shalt  }
0x84: {  	_ =	shalt  }
0x85: {  	_ =	shalt  }
0x86: {  	_ =	shalt  }
0x87: {  	_ =	shalt  }
.Lfunc_end0:
.L_simem_size_0:
called_computation_lowered:
.L_overlay_start_0:
0x88: {  	s2 =	sld [smem:$0x3FD9]  }
0x89: {  	s3 =	sld [smem:$0x3FFE];
	_ =	sdelay $0x1  }
0x8a: {  	s1 =	srdreg.scid  }
0x8b: {  	s0 =	sand.u32 $0x1, s1  }
0x8c: {  	s14 =	sshll.u32 s0, $0xA;
	s2 =	sadd.s32 s3, s2  }
0x8d: {  	s2 =	sadd.s32 s2, s14  }
0x8e: {  	[smem:$0x3FBF] =	sst s2  }
0x8f: {  	_ = 	snop  }
0x90: {  	s2 =	sld [smem:$0x3FD0];
	_ =	sdelay $0x3  }
0x91: {  	s15 =	simm.s32 $0xA;
	s4 =	simm.s32 $0x10;
	s2 =	sadd.s32 $0x1, s2  }
0x92: {  	[smem:s4], [sflag:s15] =	dma.local [hbm:s2], $0x1  }
0x93: {  	_ =	swait.eq [sflag:s15], $0x1  }
0x94: {  	[sflag:s15] =	ssyncset.done $0x0  }
0x95: {  	[sflag:s15] =	ssyncadd.s32 $0xFFFFFFFF  }
0x96: {  	s16 =	sld [smem:$0x10];
	(tm) =	ssettm $0x1  }
0x97: {  	s17 =	sld [smem:$0x3FFB];
	_ =	sdelay $0x3  }
0x98: {  	_ =	strace s17  }
0x99: {  	s3 =	sld [smem:$0x3FFC];
	_ =	sdelay $0x3  }
0x9a: {  	_ =	strace s3  }
0x9b: {  	s3 =	sld [smem:$0x3FFD];
	_ =	sdelay $0x3  }
0x9c: {  	_ =	strace s3  }
0x9d: {  	_ =	strace $0x8FFFFFFF  }
0x9e: {  	s18 =	sld [smem:$0x3FDB];
	_ =	sdelay $0x1  }
0x9f: {  	s19 =	simm.s32 $_scs_section_size  }
0xa0: {  	s5 =	simm.s32 $_size__tile_overlayer_lowered;
	s6 =	simm.s32 $_tile_overlayer_lowered  }
0xa1: {  	s22 =	simm.s32 $0x1BFF;
	s21 =	sshll.u32 s6, $0x1;
	s3 =	sadd.s32 s19, s18  }
0xa2: {  	s7 =	simm.s32 $0x0;
	s20 =	sshll.u32 s5, $0x1;
	s5 =	sadd.s32 s21, s3  }
0xa3: {  	[timem:s7], [sflag:s22] =	dma.local [hbm:s5], s20  }
0xa4: {  	_ =	swait.ge [sflag:s22], s20  }
0xa5: {  	s4 =	ssub.s32 $0x0, s20;
	[sflag:s22] =	ssyncset.done $0x0  }
0xa6: {  	[sflag:s22] =	ssyncadd.s32 s4;
	_ =	sdelay $0x1  }
0xa7: {  	s23 =	simm.s32 $0x1B8B  }
0xa8: {  	_ =	swait.ge [sflag:s23], $0x1  }
0xa9: {  	[sflag:s23] =	ssyncset.done $0x0  }
0xaa: {  	s25 =	simm.s32 $0x1B8E;
	s24 =	sld [smem:$0x3FFE];
	[sflag:s23] =	ssyncadd.s32 $0xFFFFFFFF  }
0xab: {  	s26 =	simm.s32 $execute0_lowered;
	[smem:$0x3FD2] =	sst s25  }
0xac: {  	s5 =	sshll.u32 s26, $0x1;
	_ =	strace $0x80000046;
	[dreg:$0x1] =	wrdreg $0xFFFFFFFF  }
0xad: {  	s28 =	simm.s32 $_size_execute0_lowered;
	s3 =	sadd.s32 s3, s5;
	[dreg:$0x0] =	wrdreg $0x0  }
0xae: {  	s5 =	sshll.u32 s28, $0x1;
	[dreg:$0x2] =	wrdreg s3  }
0xaf: {  	[dreg:$0x3] =	wrdreg s5  }
0xb0: {  	[dreg:$0x4] =	wrdreg $0xC0  }
0xb1: {  	_ =	task [dreg:s7], $0x5FFFF  }
0xb2: {  	[dreg:$0x1] =	wrdreg $0xFFFFFFFF  }
0xb3: {  	[dreg:$0x0] =	wrdreg $0x60  }
0xb4: {  	[dreg:$0x2] =	wrdreg s16  }
0xb5: {  	[dreg:$0x3] =	wrdreg s24  }
0xb6: {  	[dreg:$0x4] =	wrdreg $0x9  }
0xb7: {  	_ =	task.clear_ibuf [dreg:s7], $0x5FFFF;
	_ =	strace $0x90000046  }
0xb8: {  	s29 =	simm.s32 $0x9;
	_ =	strace $0x80000048  }
0xb9: {  	_ =	swait.ge [sflag:s29], $0x1  }
0xba: {  	[sflag:s29] =	ssyncadd.s32 $0xFFFFFFFF  }
0xbb: {  	_ =	strace $0x90000048  }
0xbc: {  	_ =	sfence  }
0xbd: {  	s30 =	sld [smem:$0x0];
	_ =	sdelay $0x2  }
0xbe: {  	s31 =	sshll.u32 s1, $0xD;
	s1 =	sshrl.u32 s1, $0x2  }
0xbf: {  	s3 =	sand.u32 $0x4000, s31;
	s1 =	sadd.s32 s1, s30  }
0xc0: {  	s0 =	sor.u32 s3, s0;
	s1 =	sshll.u32 s1, $0x11  }
0xc1: {  	s0 =	sor.u32 s1, s0  }
0xc2: {  	s0 =	sadd.s32 $0x8F2B, s0  }
0xc3: {  	[sflag:s0] =	ssyncadd.remote.s32 $0x1  }
0xc4: {  	_ =	sfence.sel $0xFFFF  }
0xc5: {  	[dreg:$0x0] =	wrdreg $0xFFFFFFFF;
	(pc) =	sbr.abs _section_cstart, $3  }
0xc6: {  	[dreg:$0x1] =	wrdreg $0xFFFFFFFF  }
0xc7: {  	_ =	task.clear_ibuf [dreg:s7], $0x2FFFF;
	_ =	strace $0x9FFFFFFF  }
0xc8: {  	(tm) =	ssettm $0x7FFFFFFF  }
0xc9: {  	_ =	shalt  }
tec
execute0_lowered:
.L_overlay_start_1:
0x0: {  	(tag) =	ssettag $0x1  }
0x1: {  	s1 =	stileid.u32  }
0x2: {  	p0 =	sgt.u32 s1, $0x1  }
.Ltmp0:
0x3: {  	_ = 	snop;
	(pc) =	sbr.rel @p0 .LBB2_3-.Ltmp0, $4  }
0x4: {  	s8 =	rddreg [dreg:$0x0]  }
0x5: {  	s3 =	rddreg [dreg:$0x1];
	s2 =	simm.s32 $0x0  }
0x6: {  	[smem:$0x7FF] =	sst s2  }
0x7: {  	s0 =	rddreg [dreg:$0x2];
	_ =	strace $0x80000047  }
0x8: {  	s4 =	srdreg.scid;
	s30 =	sshll.u32 s1, $0x1  }
0x9: {  	s5 =	sadd.s32 $0x1600, s3;
	s3 =	sadd.s32 $0x401600, s3;
	s13 =	simm.s32 $0x400  }
0xa: {  	s14 =	simm.s32 $0xC00;
	s15 =	simm.s32 $0x1400;
	s16 =	simm.s32 $0x1C00  }
0xb: {  	s17 =	simm.s32 $0x2400;
	s18 =	simm.s32 $0x2C00;
	s19 =	simm.s32 $0x3400  }
0xc: {  	s20 =	simm.s32 $0x3C00;
	s22 =	simm.s32 $0x4C00;
	s6 =	sand.u32 $0x1, s4  }
0xd: {  	s23 =	simm.s32 $0x5400;
	s24 =	simm.s32 $0x5C00;
	s7 =	sor.u32 s6, s30  }
0xe: {  	s25 =	simm.s32 $0x6400;
	s26 =	simm.s32 $0x1;
	s4 =	smul.u32 $0x1A000, s7  }
0xf: {  	s31 =	ssub.s32 $0x2, s6;
	s21 =	smul.u32 $0x7800, s7;
	s12 =	sshll.u32 s7, $0x4  }
0x10: {  	s9 =	smul.u32 $0x3400, s7;
	s11 =	sshrl.u32 s31, $0x1;
	s8 =	sadd.s32 s8, s12  }
0x11: {  	s12 =	simm.s32 $0x2;
	s4 =	sshrl.u32 s4, $0x3;
	v0 =	vmov s21;
	s21 =	simm.s32 $0x4400  }
0x12: {  	v3 =	vlaneseq.u32;
	s10 =	sadd.s32 s5, s4;
	s4 =	sadd.s32 s5, s9;
	s9 =	ssub.s32 s31, s11  }
0x13: {  	vm0 =	vmmov $0xffff;
	v2 =	vshrl.u32 v3, $0x3;
	s11 =	simm.s32 $0x200;
	s5 =	sadd.s32 $0xD00, s10;
	s6 =	sadd.s32 $0x1A00, s10  }
0x14: {  	v1 =	vand.u32 $0x7, v3;
	v3 =	vor.u32 $0x8, v3;
	v2 =	vmul.u32 $0x8, v2;
	s7 =	sadd.s32 $0x2700, s10;
	s9 =	smax.u32 s9, $0x1;
	s10 =	simm.s32 $0x80  }
.LBB2_2:
0x15: {  	[tilespmem:s2], [sflag:$0x2] =	stream.strided.gather [hbm4b:s8+s10], $0x200, s11, s10, $0x38;
	[tilespmem:$0x6C00] =	vst v63  }
0x16: {  	_ =	swait.ge [sflag:s12], $0x200  }
0x17: {  	[sflag:s12] =	ssyncset.done $0x0  }
0x18: {  	[sflag:s12] =	ssyncadd.s32 $0xFFFFFE00  }
0x19: {  	v4 =	vld [tilespmem:$0x0]  }
0x1a: {  	v5 =	vld [tilespmem:$0x10]  }
0x1b: {  	v6 =	vld [tilespmem:$0x20]  }
0x1c: {  	v7 =	vld [tilespmem:$0x30]  }
0x1d: {  	v8 =	vld [tilespmem:$0x40]  }
0x1e: {  	v10 =	vld [tilespmem:$0x50];
	v9 =	vadd.s32 v0, v4  }
0x1f: {  	v11 =	vld [tilespmem:$0x60];
	v5 =	vadd.s32 v0, v5;
	[tilespmem:$0x200] =	vst v9  }
0x20: {  	v43 =	vld [tilespmem:$0x70];
	[tilespmem:$0x210] =	vst v5;
	v5 =	vadd.s32 v0, v6  }
0x21: {  	v44 =	vld [tilespmem:$0x80];
	[tilespmem:$0x220] =	vst v5;
	v5 =	vadd.s32 v0, v7  }
0x22: {  	v45 =	vld [tilespmem:$0x90];
	[tilespmem:$0x230] =	vst v5;
	v5 =	vadd.s32 v0, v8  }
0x23: {  	v46 =	vld [tilespmem:$0xA0];
	[tilespmem:$0x240] =	vst v5;
	v5 =	vadd.s32 v0, v10  }
0x24: {  	v47 =	vld [tilespmem:$0xB0];
	[tilespmem:$0x250] =	vst v5;
	v5 =	vadd.s32 v0, v11  }
0x25: {  	v48 =	vld [tilespmem:$0xC0];
	[tilespmem:$0x260] =	vst v5;
	v5 =	vadd.s32 v0, v43  }
0x26: {  	v49 =	vld [tilespmem:$0xD0];
	[tilespmem:$0x270] =	vst v5;
	v5 =	vadd.s32 v0, v44  }
0x27: {  	v50 =	vld [tilespmem:$0xE0];
	[tilespmem:$0x280] =	vst v5;
	v5 =	vadd.s32 v0, v45  }
0x28: {  	v51 =	vld [tilespmem:$0xF0];
	[tilespmem:$0x290] =	vst v5;
	v5 =	vadd.s32 v0, v46  }
0x29: {  	v52 =	vld [tilespmem:$0x100];
	[tilespmem:$0x2A0] =	vst v5;
	v5 =	vadd.s32 v0, v47  }
0x2a: {  	v53 =	vld [tilespmem:$0x110];
	[tilespmem:$0x2B0] =	vst v5;
	v5 =	vadd.s32 v0, v48  }
0x2b: {  	v54 =	vld [tilespmem:$0x120];
	[tilespmem:$0x2C0] =	vst v5;
	v5 =	vadd.s32 v0, v49  }
0x2c: {  	v55 =	vld [tilespmem:$0x130];
	[tilespmem:$0x2D0] =	vst v5;
	v5 =	vadd.s32 v0, v50  }
0x2d: {  	v56 =	vld [tilespmem:$0x140];
	[tilespmem:$0x2E0] =	vst v5;
	v5 =	vadd.s32 v0, v51  }
0x2e: {  	v57 =	vld [tilespmem:$0x150];
	[tilespmem:$0x2F0] =	vst v5;
	v5 =	vadd.s32 v0, v52  }
0x2f: {  	v58 =	vld [tilespmem:$0x160];
	v9 =	vshll.u32 v9, $0x1;
	[tilespmem:$0x300] =	vst v5;
	v5 =	vadd.s32 v0, v53  }
0x30: {  	v59 =	vld [tilespmem:$0x170];
	v4 =	vand.u32 $0x7, v4;
	v9 =	vand.u32 $0xFFFFFFF0, v9;
	[tilespmem:$0x310] =	vst v5;
	v5 =	vadd.s32 v0, v54  }
0x31: {  	v60 =	vld [tilespmem:$0x180];
	v4 =	vor.u32 v4, v9;
	[tilespmem:$0x320] =	vst v5;
	v5 =	vadd.s32 v0, v55  }
0x32: {  	v61 =	vld [tilespmem:$0x190];
	v62 =	vperm.xlane v4, v1;
	[tilespmem:$0x330] =	vst v5;
	v5 =	vadd.s32 v0, v56  }
0x33: {  	[tilespmem:$0x340] =	vst v5;
	v5 =	vadd.s32 v0, v57  }
0x34: {  	v4 =	vperm.xlane v4, v3;
	v63 =	vadd.s32 v2, v62;
	[tilespmem:$0x350] =	vst v5;
	v5 =	vadd.s32 v0, v58  }
0x35: {  	[tilespmem:$0x360] =	vst v5;
	v5 =	vadd.s32 v0, v59  }
0x36: {  	v4 =	vadd.s32 v2, v4;
	[tilespmem:$0x370] =	vst v5;
	v5 =	vadd.s32 v0, v60  }
0x37: {  	[tilespmem:$0x380] =	vst v5;
	v5 =	vadd.s32 v0, v61  }
0x38: {  	[tilespmem:$0x390] =	vst v5  }
0x39: {  	[tilespmem:s13], [sflag:$0x1] =	stream.indirect_vreg.gather [hbm4b:s3+s2], $0x80, v63, vm0, $0xb8;
	[tilespmem:$0x6C00] =	vst v63  }
0x3a: {  	_ = 	snop  }
0x3b: {  	[tilespmem:s14], [sflag:$0x1] =	stream.indirect_vreg.gather [hbm4b:s3+s2], $0x80, v4, vm0, $0xb8;
	[tilespmem:$0x6C00] =	vst v63  }
0x3c: {  	v4 =	vld [tilespmem:$0x210];
	_ =	sdelay $0x4  }
0x3d: {  	v5 =	vshll.u32 v4, $0x1  }
0x3e: {  	v4 =	vand.u32 $0x7, v4;
	v5 =	vand.u32 $0xFFFFFFF0, v5  }
0x3f: {  	v4 =	vor.u32 v4, v5  }
0x40: {  	v5 =	vperm.xlane v4, v1;
	_ =	sdelay $0x1  }
0x41: {  	v4 =	vperm.xlane v4, v3;
	v5 =	vadd.s32 v2, v5;
	_ =	sdelay $0x1  }
0x42: {  	v4 =	vadd.s32 v2, v4;
	_ =	sdelay $0x2  }
0x43: {  	[tilespmem:s15], [sflag:$0x1] =	stream.indirect_vreg.gather [hbm4b:s3+s2], $0x80, v5, vm0, $0xb8;
	[tilespmem:$0x6C00] =	vst v63  }
0x44: {  	_ = 	snop  }
0x45: {  	[tilespmem:s16], [sflag:$0x1] =	stream.indirect_vreg.gather [hbm4b:s3+s2], $0x80, v4, vm0, $0xb8;
	[tilespmem:$0x6C00] =	vst v63  }
0x46: {  	v4 =	vld [tilespmem:$0x220];
	_ =	sdelay $0x4  }
0x47: {  	v5 =	vshll.u32 v4, $0x1  }
0x48: {  	v4 =	vand.u32 $0x7, v4;
	v5 =	vand.u32 $0xFFFFFFF0, v5  }
0x49: {  	v4 =	vor.u32 v4, v5  }
0x4a: {  	v5 =	vperm.xlane v4, v1;
	_ =	sdelay $0x1  }
0x4b: {  	v4 =	vperm.xlane v4, v3;
	v5 =	vadd.s32 v2, v5;
	_ =	sdelay $0x1  }
0x4c: {  	v4 =	vadd.s32 v2, v4;
	_ =	sdelay $0x2  }
0x4d: {  	[tilespmem:s17], [sflag:$0x1] =	stream.indirect_vreg.gather [hbm4b:s3+s2], $0x80, v5, vm0, $0xb8;
	[tilespmem:$0x6C00] =	vst v63  }
0x4e: {  	_ = 	snop  }
0x4f: {  	[tilespmem:s18], [sflag:$0x1] =	stream.indirect_vreg.gather [hbm4b:s3+s2], $0x80, v4, vm0, $0xb8;
	[tilespmem:$0x6C00] =	vst v63  }
0x50: {  	v4 =	vld [tilespmem:$0x230];
	_ =	sdelay $0x4  }
0x51: {  	v5 =	vshll.u32 v4, $0x1  }
0x52: {  	v4 =	vand.u32 $0x7, v4;
	v5 =	vand.u32 $0xFFFFFFF0, v5  }
0x53: {  	v4 =	vor.u32 v4, v5  }
0x54: {  	v5 =	vperm.xlane v4, v1;
	_ =	sdelay $0x1  }
0x55: {  	v4 =	vperm.xlane v4, v3;
	v5 =	vadd.s32 v2, v5;
	_ =	sdelay $0x1  }
0x56: {  	v4 =	vadd.s32 v2, v4;
	_ =	sdelay $0x2  }
0x57: {  	[tilespmem:s19], [sflag:$0x1] =	stream.indirect_vreg.gather [hbm4b:s3+s2], $0x80, v5, vm0, $0xb8;
	[tilespmem:$0x6C00] =	vst v63  }
0x58: {  	_ = 	snop  }
0x59: {  	[tilespmem:s20], [sflag:$0x1] =	stream.indirect_vreg.gather [hbm4b:s3+s2], $0x80, v4, vm0, $0xb8;
	[tilespmem:$0x6C00] =	vst v63  }
0x5a: {  	v4 =	vld [tilespmem:$0x240];
	_ =	sdelay $0x4  }
0x5b: {  	v5 =	vshll.u32 v4, $0x1  }
0x5c: {  	v4 =	vand.u32 $0x7, v4;
	v5 =	vand.u32 $0xFFFFFFF0, v5  }
0x5d: {  	v4 =	vor.u32 v4, v5  }
0x5e: {  	v5 =	vperm.xlane v4, v1;
	_ =	sdelay $0x1  }
0x5f: {  	v4 =	vperm.xlane v4, v3;
	v5 =	vadd.s32 v2, v5;
	_ =	sdelay $0x1  }
0x60: {  	v4 =	vadd.s32 v2, v4;
	_ =	sdelay $0x2  }
0x61: {  	[tilespmem:s21], [sflag:$0x1] =	stream.indirect_vreg.gather [hbm4b:s3+s2], $0x80, v5, vm0, $0xb8;
	[tilespmem:$0x6C00] =	vst v63  }
0x62: {  	_ = 	snop  }
0x63: {  	[tilespmem:s22], [sflag:$0x1] =	stream.indirect_vreg.gather [hbm4b:s3+s2], $0x80, v4, vm0, $0xb8;
	[tilespmem:$0x6C00] =	vst v63  }
0x64: {  	v4 =	vld [tilespmem:$0x250];
	_ =	sdelay $0x4  }
0x65: {  	v5 =	vshll.u32 v4, $0x1  }
0x66: {  	v4 =	vand.u32 $0x7, v4;
	v5 =	vand.u32 $0xFFFFFFF0, v5  }
0x67: {  	v4 =	vor.u32 v4, v5  }
0x68: {  	v5 =	vperm.xlane v4, v1;
	_ =	sdelay $0x1  }
0x69: {  	v4 =	vperm.xlane v4, v3;
	v5 =	vadd.s32 v2, v5;
	_ =	sdelay $0x1  }
0x6a: {  	v4 =	vadd.s32 v2, v4;
	_ =	sdelay $0x2  }
0x6b: {  	[tilespmem:s23], [sflag:$0x1] =	stream.indirect_vreg.gather [hbm4b:s3+s2], $0x80, v5, vm0, $0xb8;
	[tilespmem:$0x6C00] =	vst v63  }
0x6c: {  	_ = 	snop  }
0x6d: {  	[tilespmem:s24], [sflag:$0x1] =	stream.indirect_vreg.gather [hbm4b:s3+s2], $0x80, v4, vm0, $0xb8;
	[tilespmem:$0x6C00] =	vst v63  }
0x6e: {  	v4 =	vld.msk [tilespmem:$0x260], $0xff;
	_ =	sdelay $0x4  }
0x6f: {  	v5 =	vshll.u32 v4, $0x1  }
0x70: {  	v4 =	vand.u32 $0x7, v4;
	v5 =	vand.u32 $0xFFFFFFF0, v5  }
0x71: {  	v4 =	vor.u32 v4, v5  }
0x72: {  	v4 =	vperm.xlane v4, v1;
	_ =	sdelay $0x1  }
0x73: {  	v4 =	vadd.s32 v2, v4;
	_ =	sdelay $0x4  }
0x74: {  	[tilespmem:s25], [sflag:$0x1] =	stream.indirect_vreg.gather [hbm4b:s3+s2], $0x80, v4, vm0, $0xb8;
	[tilespmem:$0x6C00] =	vst v63  }
0x75: {  	_ =	swait.ge [sflag:s26], $0x6800  }
0x76: {  	[sflag:s26] =	ssyncset.done $0x0  }
0x77: {  	[sflag:s26] =	ssyncadd.s32 $0xFFFF9800  }
0x78: {  	[hbm4b:s4+s2] =	stream.linear.scatter [tilespmem:s13], [sflag:$0x2], $0x6800, $0x38;
	[tilespmem:$0x6C00] =	vst v63  }
0x79: {  	_ =	swait.ge [sflag:s12], $0x6800  }
0x7a: {  	[sflag:s12] =	ssyncset.done $0x0  }
0x7b: {  	[sflag:s12] =	ssyncadd.s32 $0xFFFF9800  }
0x7c: {  	v4 =	vld [tilespmem:$0x268];
	_ =	sdelay $0x4  }
0x7d: {  	v5 =	vshll.u32 v4, $0x1  }
0x7e: {  	v4 =	vand.u32 $0x7, v4;
	v5 =	vand.u32 $0xFFFFFFF0, v5  }
0x7f: {  	v4 =	vor.u32 v4, v5  }
0x80: {  	v5 =	vperm.xlane v4, v1;
	_ =	sdelay $0x1  }
0x81: {  	v4 =	vperm.xlane v4, v3;
	v5 =	vadd.s32 v2, v5;
	_ =	sdelay $0x1  }
0x82: {  	v4 =	vadd.s32 v2, v4;
	_ =	sdelay $0x2  }
0x83: {  	[tilespmem:s13], [sflag:$0x1] =	stream.indirect_vreg.gather [hbm4b:s3+s2], $0x80, v5, vm0, $0xb8;
	[tilespmem:$0x6C00] =	vst v63  }
0x84: {  	_ = 	snop  }
0x85: {  	[tilespmem:s14], [sflag:$0x1] =	stream.indirect_vreg.gather [hbm4b:s3+s2], $0x80, v4, vm0, $0xb8;
	[tilespmem:$0x6C00] =	vst v63  }
0x86: {  	v4 =	vld [tilespmem:$0x278];
	_ =	sdelay $0x4  }
0x87: {  	v5 =	vshll.u32 v4, $0x1  }
0x88: {  	v4 =	vand.u32 $0x7, v4;
	v5 =	vand.u32 $0xFFFFFFF0, v5  }
0x89: {  	v4 =	vor.u32 v4, v5  }
0x8a: {  	v5 =	vperm.xlane v4, v1;
	_ =	sdelay $0x1  }
0x8b: {  	v4 =	vperm.xlane v4, v3;
	v5 =	vadd.s32 v2, v5;
	_ =	sdelay $0x1  }
0x8c: {  	v4 =	vadd.s32 v2, v4;
	_ =	sdelay $0x2  }
0x8d: {  	[tilespmem:s15], [sflag:$0x1] =	stream.indirect_vreg.gather [hbm4b:s3+s2], $0x80, v5, vm0, $0xb8;
	[tilespmem:$0x6C00] =	vst v63  }
0x8e: {  	_ = 	snop  }
0x8f: {  	[tilespmem:s16], [sflag:$0x1] =	stream.indirect_vreg.gather [hbm4b:s3+s2], $0x80, v4, vm0, $0xb8;
	[tilespmem:$0x6C00] =	vst v63  }
0x90: {  	v4 =	vld [tilespmem:$0x288];
	_ =	sdelay $0x4  }
0x91: {  	v5 =	vshll.u32 v4, $0x1  }
0x92: {  	v4 =	vand.u32 $0x7, v4;
	v5 =	vand.u32 $0xFFFFFFF0, v5  }
0x93: {  	v4 =	vor.u32 v4, v5  }
0x94: {  	v5 =	vperm.xlane v4, v1;
	_ =	sdelay $0x1  }
0x95: {  	v4 =	vperm.xlane v4, v3;
	v5 =	vadd.s32 v2, v5;
	_ =	sdelay $0x1  }
0x96: {  	v4 =	vadd.s32 v2, v4;
	_ =	sdelay $0x2  }
0x97: {  	[tilespmem:s17], [sflag:$0x1] =	stream.indirect_vreg.gather [hbm4b:s3+s2], $0x80, v5, vm0, $0xb8;
	[tilespmem:$0x6C00] =	vst v63  }
0x98: {  	_ = 	snop  }
0x99: {  	[tilespmem:s18], [sflag:$0x1] =	stream.indirect_vreg.gather [hbm4b:s3+s2], $0x80, v4, vm0, $0xb8;
	[tilespmem:$0x6C00] =	vst v63  }
0x9a: {  	v4 =	vld [tilespmem:$0x298];
	_ =	sdelay $0x4  }
0x9b: {  	v5 =	vshll.u32 v4, $0x1  }
0x9c: {  	v4 =	vand.u32 $0x7, v4;
	v5 =	vand.u32 $0xFFFFFFF0, v5  }
0x9d: {  	v4 =	vor.u32 v4, v5  }
0x9e: {  	v5 =	vperm.xlane v4, v1;
	_ =	sdelay $0x1  }
0x9f: {  	v4 =	vperm.xlane v4, v3;
	v5 =	vadd.s32 v2, v5;
	_ =	sdelay $0x1  }
0xa0: {  	v4 =	vadd.s32 v2, v4;
	_ =	sdelay $0x2  }
0xa1: {  	[tilespmem:s19], [sflag:$0x1] =	stream.indirect_vreg.gather [hbm4b:s3+s2], $0x80, v5, vm0, $0xb8;
	[tilespmem:$0x6C00] =	vst v63  }
0xa2: {  	_ = 	snop  }
0xa3: {  	[tilespmem:s20], [sflag:$0x1] =	stream.indirect_vreg.gather [hbm4b:s3+s2], $0x80, v4, vm0, $0xb8;
	[tilespmem:$0x6C00] =	vst v63  }
0xa4: {  	v4 =	vld [tilespmem:$0x2A8];
	_ =	sdelay $0x4  }
0xa5: {  	v5 =	vshll.u32 v4, $0x1  }
0xa6: {  	v4 =	vand.u32 $0x7, v4;
	v5 =	vand.u32 $0xFFFFFFF0, v5  }
0xa7: {  	v4 =	vor.u32 v4, v5  }
0xa8: {  	v5 =	vperm.xlane v4, v1;
	_ =	sdelay $0x1  }
0xa9: {  	v4 =	vperm.xlane v4, v3;
	v5 =	vadd.s32 v2, v5;
	_ =	sdelay $0x1  }
0xaa: {  	v4 =	vadd.s32 v2, v4;
	_ =	sdelay $0x2  }
0xab: {  	[tilespmem:s21], [sflag:$0x1] =	stream.indirect_vreg.gather [hbm4b:s3+s2], $0x80, v5, vm0, $0xb8;
	[tilespmem:$0x6C00] =	vst v63  }
0xac: {  	_ = 	snop  }
0xad: {  	[tilespmem:s22], [sflag:$0x1] =	stream.indirect_vreg.gather [hbm4b:s3+s2], $0x80, v4, vm0, $0xb8;
	[tilespmem:$0x6C00] =	vst v63  }
0xae: {  	v4 =	vld [tilespmem:$0x2B8];
	_ =	sdelay $0x4  }
0xaf: {  	v5 =	vshll.u32 v4, $0x1  }
0xb0: {  	v4 =	vand.u32 $0x7, v4;
	v5 =	vand.u32 $0xFFFFFFF0, v5  }
0xb1: {  	v4 =	vor.u32 v4, v5  }
0xb2: {  	v5 =	vperm.xlane v4, v1;
	_ =	sdelay $0x1  }
0xb3: {  	v4 =	vperm.xlane v4, v3;
	v5 =	vadd.s32 v2, v5;
	_ =	sdelay $0x1  }
0xb4: {  	v4 =	vadd.s32 v2, v4;
	_ =	sdelay $0x2  }
0xb5: {  	[tilespmem:s23], [sflag:$0x1] =	stream.indirect_vreg.gather [hbm4b:s3+s2], $0x80, v5, vm0, $0xb8;
	[tilespmem:$0x6C00] =	vst v63  }
0xb6: {  	_ = 	snop  }
0xb7: {  	[tilespmem:s24], [sflag:$0x1] =	stream.indirect_vreg.gather [hbm4b:s3+s2], $0x80, v4, vm0, $0xb8;
	[tilespmem:$0x6C00] =	vst v63  }
0xb8: {  	v4 =	vld.msk [tilespmem:$0x2C8], $0xff;
	_ =	sdelay $0x4  }
0xb9: {  	v5 =	vshll.u32 v4, $0x1  }
0xba: {  	v4 =	vand.u32 $0x7, v4;
	v5 =	vand.u32 $0xFFFFFFF0, v5  }
0xbb: {  	v4 =	vor.u32 v4, v5  }
0xbc: {  	v4 =	vperm.xlane v4, v1;
	_ =	sdelay $0x1  }
0xbd: {  	v4 =	vadd.s32 v2, v4;
	_ =	sdelay $0x4  }
0xbe: {  	[tilespmem:s25], [sflag:$0x1] =	stream.indirect_vreg.gather [hbm4b:s3+s2], $0x80, v4, vm0, $0xb8;
	[tilespmem:$0x6C00] =	vst v63  }
0xbf: {  	_ =	swait.ge [sflag:s26], $0x6800  }
0xc0: {  	[sflag:s26] =	ssyncset.done $0x0  }
0xc1: {  	[sflag:s26] =	ssyncadd.s32 $0xFFFF9800  }
0xc2: {  	[hbm4b:s5+s2] =	stream.linear.scatter [tilespmem:s13], [sflag:$0x2], $0x6800, $0x38;
	[tilespmem:$0x6C00] =	vst v63  }
0xc3: {  	_ =	swait.ge [sflag:s12], $0x6800  }
0xc4: {  	[sflag:s12] =	ssyncset.done $0x0  }
0xc5: {  	[sflag:s12] =	ssyncadd.s32 $0xFFFF9800  }
0xc6: {  	v4 =	vld [tilespmem:$0x2D0];
	_ =	sdelay $0x4  }
0xc7: {  	v5 =	vshll.u32 v4, $0x1  }
0xc8: {  	v4 =	vand.u32 $0x7, v4;
	v5 =	vand.u32 $0xFFFFFFF0, v5  }
0xc9: {  	v4 =	vor.u32 v4, v5  }
0xca: {  	v5 =	vperm.xlane v4, v1;
	_ =	sdelay $0x1  }
0xcb: {  	v4 =	vperm.xlane v4, v3;
	v5 =	vadd.s32 v2, v5;
	_ =	sdelay $0x1  }
0xcc: {  	v4 =	vadd.s32 v2, v4;
	_ =	sdelay $0x2  }
0xcd: {  	[tilespmem:s13], [sflag:$0x1] =	stream.indirect_vreg.gather [hbm4b:s3+s2], $0x80, v5, vm0, $0xb8;
	[tilespmem:$0x6C00] =	vst v63  }
0xce: {  	_ = 	snop  }
0xcf: {  	[tilespmem:s14], [sflag:$0x1] =	stream.indirect_vreg.gather [hbm4b:s3+s2], $0x80, v4, vm0, $0xb8;
	[tilespmem:$0x6C00] =	vst v63  }
0xd0: {  	v4 =	vld [tilespmem:$0x2E0];
	_ =	sdelay $0x4  }
0xd1: {  	v5 =	vshll.u32 v4, $0x1  }
0xd2: {  	v4 =	vand.u32 $0x7, v4;
	v5 =	vand.u32 $0xFFFFFFF0, v5  }
0xd3: {  	v4 =	vor.u32 v4, v5  }
0xd4: {  	v5 =	vperm.xlane v4, v1;
	_ =	sdelay $0x1  }
0xd5: {  	v4 =	vperm.xlane v4, v3;
	v5 =	vadd.s32 v2, v5;
	_ =	sdelay $0x1  }
0xd6: {  	v4 =	vadd.s32 v2, v4;
	_ =	sdelay $0x2  }
0xd7: {  	[tilespmem:s15], [sflag:$0x1] =	stream.indirect_vreg.gather [hbm4b:s3+s2], $0x80, v5, vm0, $0xb8;
	[tilespmem:$0x6C00] =	vst v63  }
0xd8: {  	_ = 	snop  }
0xd9: {  	[tilespmem:s16], [sflag:$0x1] =	stream.indirect_vreg.gather [hbm4b:s3+s2], $0x80, v4, vm0, $0xb8;
	[tilespmem:$0x6C00] =	vst v63  }
0xda: {  	v4 =	vld [tilespmem:$0x2F0];
	_ =	sdelay $0x4  }
0xdb: {  	v5 =	vshll.u32 v4, $0x1  }
0xdc: {  	v4 =	vand.u32 $0x7, v4;
	v5 =	vand.u32 $0xFFFFFFF0, v5  }
0xdd: {  	v4 =	vor.u32 v4, v5  }
0xde: {  	v5 =	vperm.xlane v4, v1;
	_ =	sdelay $0x1  }
0xdf: {  	v4 =	vperm.xlane v4, v3;
	v5 =	vadd.s32 v2, v5;
	_ =	sdelay $0x1  }
0xe0: {  	v4 =	vadd.s32 v2, v4;
	_ =	sdelay $0x2  }
0xe1: {  	[tilespmem:s17], [sflag:$0x1] =	stream.indirect_vreg.gather [hbm4b:s3+s2], $0x80, v5, vm0, $0xb8;
	[tilespmem:$0x6C00] =	vst v63  }
0xe2: {  	_ = 	snop  }
0xe3: {  	[tilespmem:s18], [sflag:$0x1] =	stream.indirect_vreg.gather [hbm4b:s3+s2], $0x80, v4, vm0, $0xb8;
	[tilespmem:$0x6C00] =	vst v63  }
0xe4: {  	v4 =	vld [tilespmem:$0x300];
	_ =	sdelay $0x4  }
0xe5: {  	v5 =	vshll.u32 v4, $0x1  }
0xe6: {  	v4 =	vand.u32 $0x7, v4;
	v5 =	vand.u32 $0xFFFFFFF0, v5  }
0xe7: {  	v4 =	vor.u32 v4, v5  }
0xe8: {  	v5 =	vperm.xlane v4, v1;
	_ =	sdelay $0x1  }
0xe9: {  	v4 =	vperm.xlane v4, v3;
	v5 =	vadd.s32 v2, v5;
	_ =	sdelay $0x1  }
0xea: {  	v4 =	vadd.s32 v2, v4;
	_ =	sdelay $0x2  }
0xeb: {  	[tilespmem:s19], [sflag:$0x1] =	stream.indirect_vreg.gather [hbm4b:s3+s2], $0x80, v5, vm0, $0xb8;
	[tilespmem:$0x6C00] =	vst v63  }
0xec: {  	_ = 	snop  }
0xed: {  	[tilespmem:s20], [sflag:$0x1] =	stream.indirect_vreg.gather [hbm4b:s3+s2], $0x80, v4, vm0, $0xb8;
	[tilespmem:$0x6C00] =	vst v63  }
0xee: {  	v4 =	vld [tilespmem:$0x310];
	_ =	sdelay $0x4  }
0xef: {  	v5 =	vshll.u32 v4, $0x1  }
0xf0: {  	v4 =	vand.u32 $0x7, v4;
	v5 =	vand.u32 $0xFFFFFFF0, v5  }
0xf1: {  	v4 =	vor.u32 v4, v5  }
0xf2: {  	v5 =	vperm.xlane v4, v1;
	_ =	sdelay $0x1  }
0xf3: {  	v4 =	vperm.xlane v4, v3;
	v5 =	vadd.s32 v2, v5;
	_ =	sdelay $0x1  }
0xf4: {  	v4 =	vadd.s32 v2, v4;
	_ =	sdelay $0x2  }
0xf5: {  	[tilespmem:s21], [sflag:$0x1] =	stream.indirect_vreg.gather [hbm4b:s3+s2], $0x80, v5, vm0, $0xb8;
	[tilespmem:$0x6C00] =	vst v63  }
0xf6: {  	_ = 	snop  }
0xf7: {  	[tilespmem:s22], [sflag:$0x1] =	stream.indirect_vreg.gather [hbm4b:s3+s2], $0x80, v4, vm0, $0xb8;
	[tilespmem:$0x6C00] =	vst v63  }
0xf8: {  	v4 =	vld [tilespmem:$0x320];
	_ =	sdelay $0x4  }
0xf9: {  	v5 =	vshll.u32 v4, $0x1  }
0xfa: {  	v4 =	vand.u32 $0x7, v4;
	v5 =	vand.u32 $0xFFFFFFF0, v5  }
0xfb: {  	v4 =	vor.u32 v4, v5  }
0xfc: {  	v5 =	vperm.xlane v4, v1;
	_ =	sdelay $0x1  }
0xfd: {  	v4 =	vperm.xlane v4, v3;
	v5 =	vadd.s32 v2, v5;
	_ =	sdelay $0x1  }
0xfe: {  	v4 =	vadd.s32 v2, v4;
	_ =	sdelay $0x2  }
0xff: {  	[tilespmem:s23], [sflag:$0x1] =	stream.indirect_vreg.gather [hbm4b:s3+s2], $0x80, v5, vm0, $0xb8;
	[tilespmem:$0x6C00] =	vst v63  }
0x100: {  	_ = 	snop  }
0x101: {  	[tilespmem:s24], [sflag:$0x1] =	stream.indirect_vreg.gather [hbm4b:s3+s2], $0x80, v4, vm0, $0xb8;
	[tilespmem:$0x6C00] =	vst v63  }
0x102: {  	v4 =	vld.msk [tilespmem:$0x330], $0xff;
	_ =	sdelay $0x4  }
0x103: {  	v5 =	vshll.u32 v4, $0x1  }
0x104: {  	v4 =	vand.u32 $0x7, v4;
	v5 =	vand.u32 $0xFFFFFFF0, v5  }
0x105: {  	v4 =	vor.u32 v4, v5  }
0x106: {  	v4 =	vperm.xlane v4, v1;
	_ =	sdelay $0x1  }
0x107: {  	v4 =	vadd.s32 v2, v4;
	_ =	sdelay $0x4  }
0x108: {  	[tilespmem:s25], [sflag:$0x1] =	stream.indirect_vreg.gather [hbm4b:s3+s2], $0x80, v4, vm0, $0xb8;
	[tilespmem:$0x6C00] =	vst v63  }
0x109: {  	_ =	swait.ge [sflag:s26], $0x6800  }
0x10a: {  	[sflag:s26] =	ssyncset.done $0x0  }
0x10b: {  	[sflag:s26] =	ssyncadd.s32 $0xFFFF9800  }
0x10c: {  	[hbm4b:s6+s2] =	stream.linear.scatter [tilespmem:s13], [sflag:$0x2], $0x6800, $0x38;
	[tilespmem:$0x6C00] =	vst v63  }
0x10d: {  	_ =	swait.ge [sflag:s12], $0x6800  }
0x10e: {  	[sflag:s12] =	ssyncset.done $0x0  }
0x10f: {  	[sflag:s12] =	ssyncadd.s32 $0xFFFF9800  }
0x110: {  	v4 =	vld [tilespmem:$0x338];
	_ =	sdelay $0x4  }
0x111: {  	v5 =	vshll.u32 v4, $0x1  }
0x112: {  	v4 =	vand.u32 $0x7, v4;
	v5 =	vand.u32 $0xFFFFFFF0, v5  }
0x113: {  	v4 =	vor.u32 v4, v5  }
0x114: {  	v5 =	vperm.xlane v4, v1;
	_ =	sdelay $0x1  }
0x115: {  	v4 =	vperm.xlane v4, v3;
	v5 =	vadd.s32 v2, v5;
	_ =	sdelay $0x1  }
0x116: {  	v4 =	vadd.s32 v2, v4;
	_ =	sdelay $0x2  }
0x117: {  	[tilespmem:s13], [sflag:$0x1] =	stream.indirect_vreg.gather [hbm4b:s3+s2], $0x80, v5, vm0, $0xb8;
	[tilespmem:$0x6C00] =	vst v63  }
0x118: {  	_ = 	snop  }
0x119: {  	[tilespmem:s14], [sflag:$0x1] =	stream.indirect_vreg.gather [hbm4b:s3+s2], $0x80, v4, vm0, $0xb8;
	[tilespmem:$0x6C00] =	vst v63  }
0x11a: {  	v4 =	vld [tilespmem:$0x348];
	_ =	sdelay $0x4  }
0x11b: {  	v5 =	vshll.u32 v4, $0x1  }
0x11c: {  	v4 =	vand.u32 $0x7, v4;
	v5 =	vand.u32 $0xFFFFFFF0, v5  }
0x11d: {  	v4 =	vor.u32 v4, v5  }
0x11e: {  	v5 =	vperm.xlane v4, v1;
	_ =	sdelay $0x1  }
0x11f: {  	v4 =	vperm.xlane v4, v3;
	v5 =	vadd.s32 v2, v5;
	_ =	sdelay $0x1  }
0x120: {  	v4 =	vadd.s32 v2, v4;
	_ =	sdelay $0x2  }
0x121: {  	[tilespmem:s15], [sflag:$0x1] =	stream.indirect_vreg.gather [hbm4b:s3+s2], $0x80, v5, vm0, $0xb8;
	[tilespmem:$0x6C00] =	vst v63  }
0x122: {  	_ = 	snop  }
0x123: {  	[tilespmem:s16], [sflag:$0x1] =	stream.indirect_vreg.gather [hbm4b:s3+s2], $0x80, v4, vm0, $0xb8;
	[tilespmem:$0x6C00] =	vst v63  }
0x124: {  	v4 =	vld [tilespmem:$0x358];
	_ =	sdelay $0x4  }
0x125: {  	v5 =	vshll.u32 v4, $0x1  }
0x126: {  	v4 =	vand.u32 $0x7, v4;
	v5 =	vand.u32 $0xFFFFFFF0, v5  }
0x127: {  	v4 =	vor.u32 v4, v5  }
0x128: {  	v5 =	vperm.xlane v4, v1;
	_ =	sdelay $0x1  }
0x129: {  	v4 =	vperm.xlane v4, v3;
	v5 =	vadd.s32 v2, v5;
	_ =	sdelay $0x1  }
0x12a: {  	v4 =	vadd.s32 v2, v4;
	_ =	sdelay $0x2  }
0x12b: {  	[tilespmem:s17], [sflag:$0x1] =	stream.indirect_vreg.gather [hbm4b:s3+s2], $0x80, v5, vm0, $0xb8;
	[tilespmem:$0x6C00] =	vst v63  }
0x12c: {  	_ = 	snop  }
0x12d: {  	[tilespmem:s18], [sflag:$0x1] =	stream.indirect_vreg.gather [hbm4b:s3+s2], $0x80, v4, vm0, $0xb8;
	[tilespmem:$0x6C00] =	vst v63  }
0x12e: {  	v4 =	vld [tilespmem:$0x368];
	_ =	sdelay $0x4  }
0x12f: {  	v5 =	vshll.u32 v4, $0x1  }
0x130: {  	v4 =	vand.u32 $0x7, v4;
	v5 =	vand.u32 $0xFFFFFFF0, v5  }
0x131: {  	v4 =	vor.u32 v4, v5  }
0x132: {  	v5 =	vperm.xlane v4, v1;
	_ =	sdelay $0x1  }
0x133: {  	v4 =	vperm.xlane v4, v3;
	v5 =	vadd.s32 v2, v5;
	_ =	sdelay $0x1  }
0x134: {  	v4 =	vadd.s32 v2, v4;
	_ =	sdelay $0x2  }
0x135: {  	[tilespmem:s19], [sflag:$0x1] =	stream.indirect_vreg.gather [hbm4b:s3+s2], $0x80, v5, vm0, $0xb8;
	[tilespmem:$0x6C00] =	vst v63  }
0x136: {  	_ = 	snop  }
0x137: {  	[tilespmem:s20], [sflag:$0x1] =	stream.indirect_vreg.gather [hbm4b:s3+s2], $0x80, v4, vm0, $0xb8;
	[tilespmem:$0x6C00] =	vst v63  }
0x138: {  	v4 =	vld [tilespmem:$0x378];
	_ =	sdelay $0x4  }
0x139: {  	v5 =	vshll.u32 v4, $0x1  }
0x13a: {  	v4 =	vand.u32 $0x7, v4;
	v5 =	vand.u32 $0xFFFFFFF0, v5  }
0x13b: {  	v4 =	vor.u32 v4, v5  }
0x13c: {  	v5 =	vperm.xlane v4, v1;
	_ =	sdelay $0x1  }
0x13d: {  	v4 =	vperm.xlane v4, v3;
	v5 =	vadd.s32 v2, v5;
	_ =	sdelay $0x1  }
0x13e: {  	v4 =	vadd.s32 v2, v4;
	_ =	sdelay $0x2  }
0x13f: {  	[tilespmem:s21], [sflag:$0x1] =	stream.indirect_vreg.gather [hbm4b:s3+s2], $0x80, v5, vm0, $0xb8;
	[tilespmem:$0x6C00] =	vst v63  }
0x140: {  	_ = 	snop  }
0x141: {  	[tilespmem:s22], [sflag:$0x1] =	stream.indirect_vreg.gather [hbm4b:s3+s2], $0x80, v4, vm0, $0xb8;
	[tilespmem:$0x6C00] =	vst v63  }
0x142: {  	v4 =	vld [tilespmem:$0x388];
	_ =	sdelay $0x4  }
0x143: {  	v5 =	vshll.u32 v4, $0x1  }
0x144: {  	v4 =	vand.u32 $0x7, v4;
	v5 =	vand.u32 $0xFFFFFFF0, v5  }
0x145: {  	v4 =	vor.u32 v4, v5  }
0x146: {  	v5 =	vperm.xlane v4, v1;
	_ =	sdelay $0x1  }
0x147: {  	v4 =	vperm.xlane v4, v3;
	v5 =	vadd.s32 v2, v5;
	_ =	sdelay $0x1  }
0x148: {  	v4 =	vadd.s32 v2, v4;
	_ =	sdelay $0x2  }
0x149: {  	[tilespmem:s23], [sflag:$0x1] =	stream.indirect_vreg.gather [hbm4b:s3+s2], $0x80, v5, vm0, $0xb8;
	[tilespmem:$0x6C00] =	vst v63  }
0x14a: {  	_ = 	snop  }
0x14b: {  	[tilespmem:s24], [sflag:$0x1] =	stream.indirect_vreg.gather [hbm4b:s3+s2], $0x80, v4, vm0, $0xb8;
	[tilespmem:$0x6C00] =	vst v63  }
0x14c: {  	v4 =	vld.msk [tilespmem:$0x398], $0xff;
	_ =	sdelay $0x4  }
0x14d: {  	v5 =	vshll.u32 v4, $0x1  }
0x14e: {  	v4 =	vand.u32 $0x7, v4;
	v5 =	vand.u32 $0xFFFFFFF0, v5  }
0x14f: {  	v4 =	vor.u32 v4, v5  }
0x150: {  	v4 =	vperm.xlane v4, v1;
	_ =	sdelay $0x1  }
0x151: {  	v4 =	vadd.s32 v2, v4;
	_ =	sdelay $0x4  }
0x152: {  	[tilespmem:s25], [sflag:$0x1] =	stream.indirect_vreg.gather [hbm4b:s3+s2], $0x80, v4, vm0, $0xb8;
	[tilespmem:$0x6C00] =	vst v63  }
0x153: {  	_ =	swait.ge [sflag:s26], $0x6800  }
0x154: {  	p0 =	sne.s32 s9, $0x1;
	[sflag:s26] =	ssyncset.done $0x0  }
.Ltmp1:
0x155: {  	[sflag:s26] =	ssyncadd.s32 $0xFFFF9800;
	(pc) =	sbr.rel @p0 .LBB2_2-.Ltmp1, $4  }
0x156: {  	[hbm4b:s7+s2] =	stream.linear.scatter [tilespmem:s13], [sflag:$0x2], $0x6800, $0x38;
	[tilespmem:$0x6C00] =	vst v63  }
0x157: {  	_ =	swait.ge [sflag:s12], $0x6800  }
0x158: {  	[sflag:s12] =	ssyncset.done $0x0  }
0x159: {  	s9 =	sadd.s32 $0xFFFFFFFF, s9;
	[sflag:s12] =	ssyncadd.s32 $0xFFFF9800  }
.LBB2_3:
0x15a: {  	_ =	sfence.sel $0x180000  }
0x15b: {  	[bflag:$0x0] =	sbarrier.arrive $0xFFFF  }
0x15c: {  	p0 =	sne.s32 s1, $0x0;
	_ =	strace $0x90000047  }
0x15d: {  	s0 =	sadd.s32 @!p0 $0x100000, s0;
	[bflag:$0x2] =	sbarrier.arrive $0xFFFF  }
0x15e: {  	[sflag:s0] =	ssyncadd.tile.s32 @!p0 $0x1;
	_ =	shalt  }
.Lfunc_end2:
_tile_overlayer_lowered:
.L_overlay_start_2:
0x15f: {  	(tag) =	ssettag $0x2  }
0x160: {  	s0 =	rddreg [dreg:$0x0];
	s2 =	stileid.u32  }
0x161: {  	s1 =	rddreg [dreg:$0x1];
	p0 =	sne.s32 s2, $0x0  }
0x162: {  	s3 =	rddreg [dreg:$0x2];
	[bflag:$0x3] =	sbarrier.arrive $0xFFFF;
	s2 =	simm.s32 @!p0 $0x1C02  }
0x163: {  	[timem:s3], [sflag:s2] =	dma.local @!p0 [hbm:s0], s1  }
0x164: {  	s0 =	simm.s32 @!p0 $0x2  }
0x165: {  	_ =	swait.ge @!p0 [sflag:s0], s1  }
0x166: {  	s1 =	ssub.s32 @!p0 $0x0, s1;
	[sflag:s0] =	ssyncset.done @!p0 $0x0  }
0x167: {  	[sflag:s0] =	ssyncadd.s32 @!p0 s1  }
0x168: {  	[bflag:$0x3] =	sbarrier.arrive $0xFFFF  }
0x169: {  	_ =	shalt  }

</sc_bundles>
